<compile_context>
chip_gen: v7x
topology: tpu7x:2x2x1
jax: 0.10.2.dev20260603
libtpu: 0.0.44.dev20260713+nightly
codegen_flags: <defaults>
</compile_context>

<pallas_src>
import functools

import jax
import jax.numpy as jnp
from jax import lax
from jax.experimental import pallas as pl
from jax.experimental.pallas import tpu as pltpu
from jax.experimental.pallas import tpu_sc as plsc

D = 8
K = 512
SUB = 8
EMB = 64
KA = 256

TN = 1024


@functools.cache
def _make_gather(n_rows):
    info = plsc.get_sparse_core_info()
    nc, ns = info.num_cores, info.num_subcores
    nw = nc * ns
    b_per_w = n_rows // nw
    ch = 128
    n_ch = b_per_w // ch
    flight = 10
    assert b_per_w % (ch * flight) == 0

    mesh = plsc.VectorSubcoreMesh(core_axis_name="c", subcore_axis_name="s")

    @functools.partial(
        pl.kernel,
        mesh=mesh,
        compiler_params=pltpu.CompilerParams(use_tc_tiling_on_sc=False),
        out_type=jax.ShapeDtypeStruct((n_rows, EMB), jnp.float32),
        scratch_types=[
            pltpu.VMEM((b_per_w,), jnp.int32),
            pltpu.VMEM((ch * flight, EMB), jnp.float32),
            pltpu.SemaphoreType.DMA,
        ],
    )
    def gather(idx_hbm, table_hbm, out_hbm, idx_v, buf, sem):
        wid = lax.axis_index("s") * nc + lax.axis_index("c")
        base = wid * b_per_w
        pltpu.sync_copy(idx_hbm.at[pl.ds(base, b_per_w)], idx_v)
        for h in range(n_ch // flight):
            handles = []
            for j in range(flight):
                handles.append(
                    pltpu.async_copy(
                        table_hbm.at[idx_v.at[pl.ds((h * flight + j) * ch, ch)]],
                        buf.at[pl.ds(j * ch, ch)],
                        sem,
                    )
                )
            for hdl in handles:
                hdl.wait()
            pltpu.sync_copy(
                buf,
                out_hbm.at[pl.ds(base + h * flight * ch, flight * ch)],
            )

    return gather


def _dot0(a, b):
    return lax.dot_general(a, b, (((0,), (0,)), ((), ())),
                           preferred_element_type=jnp.float32,
                           precision=lax.Precision.HIGHEST)


def _stats_kernel(ct_ref, x_ref, maff_ref, a_ref, t_ref, s1_ref, ps_ref,
                  pq_ref, *, grid):
    i = pl.program_id(0)

    @pl.when(i == 0)
    def _init():
        a_ref[...] = jnp.zeros_like(a_ref)
        t_ref[...] = jnp.zeros_like(t_ref)
        s1_ref[...] = jnp.zeros_like(s1_ref)
        ps_ref[...] = jnp.zeros_like(ps_ref)
        pq_ref[...] = jnp.zeros_like(pq_ref)

    x = x_ref[...]
    xb = x.astype(jnp.bfloat16).astype(jnp.float32)
    xsq = x * x
    gi = lax.broadcasted_iota(jnp.int32, (EMB, D), 0) // SUB
    gj = lax.broadcasted_iota(jnp.int32, (EMB, D), 1)
    g = (gi == gj).astype(jnp.float32)
    p = jnp.dot(xsq, g, preferred_element_type=jnp.float32, precision=lax.Precision.HIGHEST)

    a_ref[...] += _dot0(xb, xb)
    t_ref[...] += _dot0(p, xb)
    s1_ref[...] += jnp.sum(xb, axis=0, keepdims=True)
    ps_ref[...] += jnp.sum(p, axis=0, keepdims=True)
    pq_ref[...] += jnp.sum(p * p, axis=0, keepdims=True)

    @pl.when(i == grid - 1)
    def _fin():
        n_tot = float(grid * TN)
        a = a_ref[...]
        t = t_ref[...]
        s1 = s1_ref[...]
        ps = ps_ref[...]
        pq = pq_ref[...]

        sum_r = jnp.zeros((1, K), jnp.float32)
        sum_r2 = jnp.zeros((1, K), jnp.float32)
        for d in range(D):
            c_d = ct_ref[d]
            cb_d = c_d.astype(jnp.bfloat16).astype(jnp.float32)
            n2 = jnp.sum(c_d * c_d, axis=0, keepdims=True)
            s1_d = s1[:, d * SUB:(d + 1) * SUB]
            t_d = t[d:d + 1, d * SUB:(d + 1) * SUB]
            s2_d = a[d * SUB:(d + 1) * SUB, d * SUB:(d + 1) * SUB]
            s3_d = ps[0:1, d:d + 1]
            q_d = pq[0:1, d:d + 1]
            u = jnp.dot(s1_d, cb_d, preferred_element_type=jnp.float32, precision=lax.Precision.HIGHEST)
            tc = jnp.dot(t_d, cb_d, preferred_element_type=jnp.float32, precision=lax.Precision.HIGHEST)
            s2c = jnp.dot(s2_d, cb_d, preferred_element_type=jnp.float32, precision=lax.Precision.HIGHEST)
            csc = jnp.sum(cb_d * s2c, axis=0, keepdims=True)
            sum_r += 2.0 * u - n_tot * n2 - s3_d
            sum_r2 += (q_d + 4.0 * csc + n_tot * n2 * n2
                       - 4.0 * tc + 2.0 * s3_d * n2 - 4.0 * u * n2)

        cnt = n_tot * D
        mean = sum_r / cnt
        var = sum_r2 / cnt - mean * mean
        maff_ref[0:1, :] = mean
        maff_ref[1:2, :] = lax.rsqrt(var + 1e-3)


def _assign_kernel(ct_ref, c_ref, st_ref, x_ref, o_ref):
    x = x_ref[...]
    mean = st_ref[0:1, :]
    rscale = st_ref[1:2, :]
    for d in range(D):
        xd = x[:, d * SUB:(d + 1) * SUB]
        ct_d = ct_ref[d]
        dot = jnp.dot(xd, ct_d, preferred_element_type=jnp.float32)
        n1 = jnp.sum(xd * xd, axis=1, keepdims=True)
        n2 = jnp.sum(ct_d * ct_d, axis=0, keepdims=True)
        rn = (2.0 * dot - n1 - n2 - mean) * rscale
        m = jnp.max(rn, axis=1, keepdims=True)
        onehot = (rn == m).astype(jnp.float32)
        o_ref[:, d * SUB:(d + 1) * SUB] = jnp.dot(
            onehot, c_ref[d], preferred_element_type=jnp.float32,
        )


def kernel(indices, query_wemb, centroids_k):
    batch, hist = indices.shape
    n = batch * hist
    grid = n // TN

    idx_flat = indices.reshape(-1).astype(jnp.int32)
    x = _make_gather(n)(idx_flat, query_wemb)

    ct = jnp.transpose(centroids_k, (0, 2, 1))

    maff = pl.pallas_call(
        functools.partial(_stats_kernel, grid=grid),
        grid=(grid,),
        in_specs=[
            pl.BlockSpec((D, SUB, K), lambda i: (0, 0, 0)),
            pl.BlockSpec((TN, EMB), lambda i: (i, 0)),
        ],
        out_specs=pl.BlockSpec((2, K), lambda i: (0, 0)),
        out_shape=jax.ShapeDtypeStruct((2, K), jnp.float32),
        scratch_shapes=[
            pltpu.VMEM((EMB, EMB), jnp.float32),
            pltpu.VMEM((D, EMB), jnp.float32),
            pltpu.VMEM((1, EMB), jnp.float32),
            pltpu.VMEM((1, D), jnp.float32),
            pltpu.VMEM((1, D), jnp.float32),
        ],
    )(ct, x)

    out = pl.pallas_call(
        _assign_kernel,
        grid=(grid,),
        in_specs=[
            pl.BlockSpec((D, SUB, K), lambda i: (0, 0, 0)),
            pl.BlockSpec((D, K, SUB), lambda i: (0, 0, 0)),
            pl.BlockSpec((2, K), lambda i: (0, 0)),
            pl.BlockSpec((TN, EMB), lambda i: (i, 0)),
        ],
        out_specs=pl.BlockSpec((TN, EMB), lambda i: (i, 0)),
        out_shape=jax.ShapeDtypeStruct((n, EMB), jnp.float32),
    )(ct, centroids_k, maff, x)

    return out.reshape(batch, hist, EMB)

# --- scband reference (transcript-rebuilt; emitter-appended) ---
"""Pipeline reference for scband-dpqembedding-33346126086311 (READ-ONLY COPY).

The authoritative reference and input builder live on the scoring server;
editing this copy changes nothing except your own understanding.
"""

import jax, jax.numpy as jnp
import numpy as np

K = 512
D = 8
VOCAB = 1000000
EMB = 64
SUB = EMB // D  # 8
BATCH = 4096
HIST = 20


def setup_inputs(seed: int = 0) -> dict:
    key = jax.random.key(seed)
    k1, k2, k3 = jax.random.split(key, 3)
    indices = jax.random.randint(k1, (BATCH, HIST), 0, VOCAB)
    # learned params (random_normal init in keras defaults to stddev=0.05)
    query_wemb = 0.05 * jax.random.normal(k2, (VOCAB, EMB), dtype=jnp.float32)
    centroids_k = 0.05 * jax.random.normal(k3, (D, K, SUB), dtype=jnp.float32)
    return {"indices": indices, "query_wemb": query_wemb, "centroids_k": centroids_k}


def reference(indices, query_wemb, centroids_k):
    # embedding lookup
    idxs = indices.reshape(-1)
    input_emb = jnp.take(query_wemb, idxs, axis=0)  # [N, EMB]
    x = input_emb.reshape(-1, D, SUB)  # [N, D, SUB]

    # KDQuantizer: squared-euclidean response
    norm_1 = jnp.sum(x ** 2, axis=-1, keepdims=True)            # [N, D, 1]
    norm_2 = jnp.sum(centroids_k ** 2, axis=-1)[None]           # [1, D, K]
    dot = jnp.matmul(jnp.transpose(x, (1, 0, 2)),
                     jnp.transpose(centroids_k, (0, 2, 1)))     # [D, N, K]
    response = -norm_1 + 2.0 * jnp.transpose(dot, (1, 0, 2)) - norm_2  # [N, D, K]
    response = response.reshape(-1, D, K)

    # BatchNormalization(scale=False, center=False), training=True semantics:
    # normalize per-channel (last axis) over batch+D axes, eps=1e-3 (keras default)
    mean = jnp.mean(response, axis=(0, 1), keepdims=True)
    var = jnp.var(response, axis=(0, 1), keepdims=True)
    response = (response - mean) / jnp.sqrt(var + 1e-3)

    codes = jnp.argmax(response, axis=-1)                       # [N, D]
    D_base = (K * jnp.arange(D)).astype(codes.dtype)            # not shared centroids
    neighbor_idxs = (codes + D_base[None, :]).reshape(-1)

    cent_flat = centroids_k.reshape(-1, SUB)                    # [D*K, SUB]
    outputs = jnp.take(cent_flat, neighbor_idxs, axis=0).reshape(-1, D, SUB)

    # straight-through estimator
    outputs_final = jax.lax.stop_gradient(outputs - x) + x      # [N, D, SUB]

    emb = outputs_final.reshape(indices.shape + (EMB,))         # [B, L, EMB]
    return emb

if __name__ == "__main__":
    import jax
    _d = setup_inputs()
    print(jax.jit(kernel)(*tuple(_d.values())))

</pallas_src>

<mosaic_0001>
#map = affine_map<(d0, d1) -> (0)>
#map1 = affine_map<(d0, d1) -> (0, 0)>
module attributes {stable_mosaic.version = 14 : i64} {
  func.func @gather(%arg0: i32, %arg1: i32, %arg2: memref<81920xi32, #tpu.memory_space<hbm>>, %arg3: memref<1000000x64xf32, #tpu.memory_space<hbm>>, %arg4: memref<81920x64xf32, #tpu.memory_space<hbm>>, %arg5: memref<2560xi32, #tpu.memory_space<vmem>>, %arg6: memref<1280x64xf32, #tpu.memory_space<vmem>>, %arg7: memref<!tpu.dma_semaphore, #tpu.memory_space<semaphore_mem>>) attributes {dimension_semantics = [#tpu.dimension_semantics<core_parallel>, #tpu.dimension_semantics<subcore_parallel>], iteration_bounds = array<i64: 2, 16>, scalar_prefetch = 0 : i64, scratch_operands = 3 : i64, tpu.core_type = #tpu.core_type<sc_vector_subcore>, window_params = [{transform_indices = #map}, {transform_indices = #map1}, {transform_indices = #map1}]} {
    %mul3A = arith.constant 2 : i32
    %mul3A_0 = arith.muli %arg1, %mul3A : i32
    %add3A = arith.addi %mul3A_0, %arg0 : i32
    %mul3A_1 = arith.constant 2560 : i32
    %mul3A_2 = arith.muli %add3A, %mul3A_1 : i32
    "tpu.region"() ({
      %run_scoped3A = tpu.sem_alloc : memref<!tpu.dma_semaphore, #tpu.memory_space<semaphore_mem>>
      %dma_start3A_325 = tpu.memref_slice %arg2[%mul3A_2] : memref<81920xi32, #tpu.memory_space<hbm>> -> memref<2560xi32, #tpu.memory_space<hbm>>
      %dma_start3A_326 = tpu.memref_slice %arg2[%mul3A_2] : memref<81920xi32, #tpu.memory_space<hbm>> -> memref<2560xi32, #tpu.memory_space<hbm>>
      tpu.enqueue_dma source(%dma_start3A_326 : memref<2560xi32, #tpu.memory_space<hbm>>) target(%arg5 : memref<2560xi32, #tpu.memory_space<vmem>>) target_semaphore(%run_scoped3A : memref<!tpu.dma_semaphore, #tpu.memory_space<semaphore_mem>>)
      %dma_wait3A_327 = tpu.memref_slice %arg2[%mul3A_2] : memref<81920xi32, #tpu.memory_space<hbm>> -> memref<2560xi32, #tpu.memory_space<hbm>>
      %dma_wait3A_328 = tpu.memref_slice %arg2[%mul3A_2] : memref<81920xi32, #tpu.memory_space<hbm>> -> memref<2560xi32, #tpu.memory_space<hbm>>
      tpu.wait_dma2 semaphore(%run_scoped3A : memref<!tpu.dma_semaphore, #tpu.memory_space<semaphore_mem>>) src(%dma_wait3A_328 : memref<2560xi32, #tpu.memory_space<hbm>>) dst(%arg5 : memref<2560xi32, #tpu.memory_space<vmem>>)
      tpu.yield
    }) : () -> ()
    %dma_start3A = arith.constant 0 : i32
    %dma_start3A_3 = arith.constant 0 : i32
    %dma_start3A_4 = tpu.memref_slice %arg6[%dma_start3A, %dma_start3A_3] : memref<1280x64xf32, #tpu.memory_space<vmem>> -> memref<128x64xf32, #tpu.memory_space<vmem>>
    %dma_start3A_5 = arith.constant 0 : i32
    %dma_start3A_6 = tpu.memref_slice %arg5[%dma_start3A_5] : memref<2560xi32, #tpu.memory_space<vmem>> -> memref<128xi32, #tpu.memory_space<vmem>>
    %dma_start3A_7 = arith.constant 0 : i32
    %dma_start3A_8 = arith.constant 0 : i32
    %dma_start3A_9 = tpu.memref_slice %arg3[%dma_start3A_7, %dma_start3A_8] : memref<1000000x64xf32, #tpu.memory_space<hbm>> -> memref<1000000x64xf32, #tpu.memory_space<hbm>>
    tpu.enqueue_indirect_dma source(%dma_start3A_9 : memref<1000000x64xf32, #tpu.memory_space<hbm>>) target(%dma_start3A_4 : memref<128x64xf32, #tpu.memory_space<vmem>>) offsets(%dma_start3A_6 : memref<128xi32, #tpu.memory_space<vmem>>) semaphore(%arg7 : memref<!tpu.dma_semaphore, #tpu.memory_space<semaphore_mem>>)
    %dma_start3A_10 = arith.constant 128 : i32
    %dma_start3A_11 = arith.constant 0 : i32
    %dma_start3A_12 = tpu.memref_slice %arg6[%dma_start3A_10, %dma_start3A_11] : memref<1280x64xf32, #tpu.memory_space<vmem>> -> memref<128x64xf32, #tpu.memory_space<vmem>>
    %dma_start3A_13 = arith.constant 128 : i32
    %dma_start3A_14 = tpu.memref_slice %arg5[%dma_start3A_13] : memref<2560xi32, #tpu.memory_space<vmem>> -> memref<128xi32, #tpu.memory_space<vmem>>
    %dma_start3A_15 = arith.constant 0 : i32
    %dma_start3A_16 = arith.constant 0 : i32
    %dma_start3A_17 = tpu.memref_slice %arg3[%dma_start3A_15, %dma_start3A_16] : memref<1000000x64xf32, #tpu.memory_space<hbm>> -> memref<1000000x64xf32, #tpu.memory_space<hbm>>
    tpu.enqueue_indirect_dma source(%dma_start3A_17 : memref<1000000x64xf32, #tpu.memory_space<hbm>>) target(%dma_start3A_12 : memref<128x64xf32, #tpu.memory_space<vmem>>) offsets(%dma_start3A_14 : memref<128xi32, #tpu.memory_space<vmem>>) semaphore(%arg7 : memref<!tpu.dma_semaphore, #tpu.memory_space<semaphore_mem>>)
    %dma_start3A_18 = arith.constant 256 : i32
    %dma_start3A_19 = arith.constant 0 : i32
    %dma_start3A_20 = tpu.memref_slice %arg6[%dma_start3A_18, %dma_start3A_19] : memref<1280x64xf32, #tpu.memory_space<vmem>> -> memref<128x64xf32, #tpu.memory_space<vmem>>
    %dma_start3A_21 = arith.constant 256 : i32
    %dma_start3A_22 = tpu.memref_slice %arg5[%dma_start3A_21] : memref<2560xi32, #tpu.memory_space<vmem>> -> memref<128xi32, #tpu.memory_space<vmem>>
    %dma_start3A_23 = arith.constant 0 : i32
    %dma_start3A_24 = arith.constant 0 : i32
    %dma_start3A_25 = tpu.memref_slice %arg3[%dma_start3A_23, %dma_start3A_24] : memref<1000000x64xf32, #tpu.memory_space<hbm>> -> memref<1000000x64xf32, #tpu.memory_space<hbm>>
    tpu.enqueue_indirect_dma source(%dma_start3A_25 : memref<1000000x64xf32, #tpu.memory_space<hbm>>) target(%dma_start3A_20 : memref<128x64xf32, #tpu.memory_space<vmem>>) offsets(%dma_start3A_22 : memref<128xi32, #tpu.memory_space<vmem>>) semaphore(%arg7 : memref<!tpu.dma_semaphore, #tpu.memory_space<semaphore_mem>>)
    %dma_start3A_26 = arith.constant 384 : i32
    %dma_start3A_27 = arith.constant 0 : i32
    %dma_start3A_28 = tpu.memref_slice %arg6[%dma_start3A_26, %dma_start3A_27] : memref<1280x64xf32, #tpu.memory_space<vmem>> -> memref<128x64xf32, #tpu.memory_space<vmem>>
    %dma_start3A_29 = arith.constant 384 : i32
    %dma_start3A_30 = tpu.memref_slice %arg5[%dma_start3A_29] : memref<2560xi32, #tpu.memory_space<vmem>> -> memref<128xi32, #tpu.memory_space<vmem>>
    %dma_start3A_31 = arith.constant 0 : i32
    %dma_start3A_32 = arith.constant 0 : i32
    %dma_start3A_33 = tpu.memref_slice %arg3[%dma_start3A_31, %dma_start3A_32] : memref<1000000x64xf32, #tpu.memory_space<hbm>> -> memref<1000000x64xf32, #tpu.memory_space<hbm>>
    tpu.enqueue_indirect_dma source(%dma_start3A_33 : memref<1000000x64xf32, #tpu.memory_space<hbm>>) target(%dma_start3A_28 : memref<128x64xf32, #tpu.memory_space<vmem>>) offsets(%dma_start3A_30 : memref<128xi32, #tpu.memory_space<vmem>>) semaphore(%arg7 : memref<!tpu.dma_semaphore, #tpu.memory_space<semaphore_mem>>)
    %dma_start3A_34 = arith.constant 512 : i32
    %dma_start3A_35 = arith.constant 0 : i32
    %dma_start3A_36 = tpu.memref_slice %arg6[%dma_start3A_34, %dma_start3A_35] : memref<1280x64xf32, #tpu.memory_space<vmem>> -> memref<128x64xf32, #tpu.memory_space<vmem>>
    %dma_start3A_37 = arith.constant 512 : i32
    %dma_start3A_38 = tpu.memref_slice %arg5[%dma_start3A_37] : memref<2560xi32, #tpu.memory_space<vmem>> -> memref<128xi32, #tpu.memory_space<vmem>>
    %dma_start3A_39 = arith.constant 0 : i32
    %dma_start3A_40 = arith.constant 0 : i32
    %dma_start3A_41 = tpu.memref_slice %arg3[%dma_start3A_39, %dma_start3A_40] : memref<1000000x64xf32, #tpu.memory_space<hbm>> -> memref<1000000x64xf32, #tpu.memory_space<hbm>>
    tpu.enqueue_indirect_dma source(%dma_start3A_41 : memref<1000000x64xf32, #tpu.memory_space<hbm>>) target(%dma_start3A_36 : memref<128x64xf32, #tpu.memory_space<vmem>>) offsets(%dma_start3A_38 : memref<128xi32, #tpu.memory_space<vmem>>) semaphore(%arg7 : memref<!tpu.dma_semaphore, #tpu.memory_space<semaphore_mem>>)
    %dma_start3A_42 = arith.constant 640 : i32
    %dma_start3A_43 = arith.constant 0 : i32
    %dma_start3A_44 = tpu.memref_slice %arg6[%dma_start3A_42, %dma_start3A_43] : memref<1280x64xf32, #tpu.memory_space<vmem>> -> memref<128x64xf32, #tpu.memory_space<vmem>>
    %dma_start3A_45 = arith.constant 640 : i32
    %dma_start3A_46 = tpu.memref_slice %arg5[%dma_start3A_45] : memref<2560xi32, #tpu.memory_space<vmem>> -> memref<128xi32, #tpu.memory_space<vmem>>
    %dma_start3A_47 = arith.constant 0 : i32
    %dma_start3A_48 = arith.constant 0 : i32
    %dma_start3A_49 = tpu.memref_slice %arg3[%dma_start3A_47, %dma_start3A_48] : memref<1000000x64xf32, #tpu.memory_space<hbm>> -> memref<1000000x64xf32, #tpu.memory_space<hbm>>
    tpu.enqueue_indirect_dma source(%dma_start3A_49 : memref<1000000x64xf32, #tpu.memory_space<hbm>>) target(%dma_start3A_44 : memref<128x64xf32, #tpu.memory_space<vmem>>) offsets(%dma_start3A_46 : memref<128xi32, #tpu.memory_space<vmem>>) semaphore(%arg7 : memref<!tpu.dma_semaphore, #tpu.memory_space<semaphore_mem>>)
    %dma_start3A_50 = arith.constant 768 : i32
    %dma_start3A_51 = arith.constant 0 : i32
    %dma_start3A_52 = tpu.memref_slice %arg6[%dma_start3A_50, %dma_start3A_51] : memref<1280x64xf32, #tpu.memory_space<vmem>> -> memref<128x64xf32, #tpu.memory_space<vmem>>
    %dma_start3A_53 = arith.constant 768 : i32
    %dma_start3A_54 = tpu.memref_slice %arg5[%dma_start3A_53] : memref<2560xi32, #tpu.memory_space<vmem>> -> memref<128xi32, #tpu.memory_space<vmem>>
    %dma_start3A_55 = arith.constant 0 : i32
    %dma_start3A_56 = arith.constant 0 : i32
    %dma_start3A_57 = tpu.memref_slice %arg3[%dma_start3A_55, %dma_start3A_56] : memref<1000000x64xf32, #tpu.memory_space<hbm>> -> memref<1000000x64xf32, #tpu.memory_space<hbm>>
    tpu.enqueue_indirect_dma source(%dma_start3A_57 : memref<1000000x64xf32, #tpu.memory_space<hbm>>) target(%dma_start3A_52 : memref<128x64xf32, #tpu.memory_space<vmem>>) offsets(%dma_start3A_54 : memref<128xi32, #tpu.memory_space<vmem>>) semaphore(%arg7 : memref<!tpu.dma_semaphore, #tpu.memory_space<semaphore_mem>>)
    %dma_start3A_58 = arith.constant 896 : i32
    %dma_start3A_59 = arith.constant 0 : i32
    %dma_start3A_60 = tpu.memref_slice %arg6[%dma_start3A_58, %dma_start3A_59] : memref<1280x64xf32, #tpu.memory_space<vmem>> -> memref<128x64xf32, #tpu.memory_space<vmem>>
    %dma_start3A_61 = arith.constant 896 : i32
    %dma_start3A_62 = tpu.memref_slice %arg5[%dma_start3A_61] : memref<2560xi32, #tpu.memory_space<vmem>> -> memref<128xi32, #tpu.memory_space<vmem>>
    %dma_start3A_63 = arith.constant 0 : i32
    %dma_start3A_64 = arith.constant 0 : i32
    %dma_start3A_65 = tpu.memref_slice %arg3[%dma_start3A_63, %dma_start3A_64] : memref<1000000x64xf32, #tpu.memory_space<hbm>> -> memref<1000000x64xf32, #tpu.memory_space<hbm>>
    tpu.enqueue_indirect_dma source(%dma_start3A_65 : memref<1000000x64xf32, #tpu.memory_space<hbm>>) target(%dma_start3A_60 : memref<128x64xf32, #tpu.memory_space<vmem>>) offsets(%dma_start3A_62 : memref<128xi32, #tpu.memory_space<vmem>>) semaphore(%arg7 : memref<!tpu.dma_semaphore, #tpu.memory_space<semaphore_mem>>)
    %dma_start3A_66 = arith.constant 1024 : i32
    %dma_start3A_67 = arith.constant 0 : i32
    %dma_start3A_68 = tpu.memref_slice %arg6[%dma_start3A_66, %dma_start3A_67] : memref<1280x64xf32, #tpu.memory_space<vmem>> -> memref<128x64xf32, #tpu.memory_space<vmem>>
    %dma_start3A_69 = arith.constant 1024 : i32
    %dma_start3A_70 = tpu.memref_slice %arg5[%dma_start3A_69] : memref<2560xi32, #tpu.memory_space<vmem>> -> memref<128xi32, #tpu.memory_space<vmem>>
    %dma_start3A_71 = arith.constant 0 : i32
    %dma_start3A_72 = arith.constant 0 : i32
    %dma_start3A_73 = tpu.memref_slice %arg3[%dma_start3A_71, %dma_start3A_72] : memref<1000000x64xf32, #tpu.memory_space<hbm>> -> memref<1000000x64xf32, #tpu.memory_space<hbm>>
    tpu.enqueue_indirect_dma source(%dma_start3A_73 : memref<1000000x64xf32, #tpu.memory_space<hbm>>) target(%dma_start3A_68 : memref<128x64xf32, #tpu.memory_space<vmem>>) offsets(%dma_start3A_70 : memref<128xi32, #tpu.memory_space<vmem>>) semaphore(%arg7 : memref<!tpu.dma_semaphore, #tpu.memory_space<semaphore_mem>>)
    %dma_start3A_74 = arith.constant 1152 : i32
    %dma_start3A_75 = arith.constant 0 : i32
    %dma_start3A_76 = tpu.memref_slice %arg6[%dma_start3A_74, %dma_start3A_75] : memref<1280x64xf32, #tpu.memory_space<vmem>> -> memref<128x64xf32, #tpu.memory_space<vmem>>
    %dma_start3A_77 = arith.constant 1152 : i32
    %dma_start3A_78 = tpu.memref_slice %arg5[%dma_start3A_77] : memref<2560xi32, #tpu.memory_space<vmem>> -> memref<128xi32, #tpu.memory_space<vmem>>
    %dma_start3A_79 = arith.constant 0 : i32
    %dma_start3A_80 = arith.constant 0 : i32
    %dma_start3A_81 = tpu.memref_slice %arg3[%dma_start3A_79, %dma_start3A_80] : memref<1000000x64xf32, #tpu.memory_space<hbm>> -> memref<1000000x64xf32, #tpu.memory_space<hbm>>
    tpu.enqueue_indirect_dma source(%dma_start3A_81 : memref<1000000x64xf32, #tpu.memory_space<hbm>>) target(%dma_start3A_76 : memref<128x64xf32, #tpu.memory_space<vmem>>) offsets(%dma_start3A_78 : memref<128xi32, #tpu.memory_space<vmem>>) semaphore(%arg7 : memref<!tpu.dma_semaphore, #tpu.memory_space<semaphore_mem>>)
    %dma_wait3A = arith.constant 0 : i32
    %dma_wait3A_82 = arith.constant 0 : i32
    %dma_wait3A_83 = tpu.memref_slice %arg6[%dma_wait3A, %dma_wait3A_82] : memref<1280x64xf32, #tpu.memory_space<vmem>> -> memref<128x64xf32, #tpu.memory_space<vmem>>
    %dma_wait3A_84 = arith.constant 0 : i32
    %dma_wait3A_85 = tpu.memref_slice %arg5[%dma_wait3A_84] : memref<2560xi32, #tpu.memory_space<vmem>> -> memref<128xi32, #tpu.memory_space<vmem>>
    %dma_wait3A_86 = arith.constant 0 : i32
    %dma_wait3A_87 = arith.constant 0 : i32
    %dma_wait3A_88 = tpu.memref_slice %arg3[%dma_wait3A_86, %dma_wait3A_87] : memref<1000000x64xf32, #tpu.memory_space<hbm>> -> memref<1000000x64xf32, #tpu.memory_space<hbm>>
    tpu.wait_indirect_dma semaphore(%arg7 : memref<!tpu.dma_semaphore, #tpu.memory_space<semaphore_mem>>) src(%dma_wait3A_88 : memref<1000000x64xf32, #tpu.memory_space<hbm>>) dst(%dma_wait3A_83 : memref<128x64xf32, #tpu.memory_space<vmem>>)
    %dma_wait3A_89 = arith.constant 128 : i32
    %dma_wait3A_90 = arith.constant 0 : i32
    %dma_wait3A_91 = tpu.memref_slice %arg6[%dma_wait3A_89, %dma_wait3A_90] : memref<1280x64xf32, #tpu.memory_space<vmem>> -> memref<128x64xf32, #tpu.memory_space<vmem>>
    %dma_wait3A_92 = arith.constant 128 : i32
    %dma_wait3A_93 = tpu.memref_slice %arg5[%dma_wait3A_92] : memref<2560xi32, #tpu.memory_space<vmem>> -> memref<128xi32, #tpu.memory_space<vmem>>
    %dma_wait3A_94 = arith.constant 0 : i32
    %dma_wait3A_95 = arith.constant 0 : i32
    %dma_wait3A_96 = tpu.memref_slice %arg3[%dma_wait3A_94, %dma_wait3A_95] : memref<1000000x64xf32, #tpu.memory_space<hbm>> -> memref<1000000x64xf32, #tpu.memory_space<hbm>>
    tpu.wait_indirect_dma semaphore(%arg7 : memref<!tpu.dma_semaphore, #tpu.memory_space<semaphore_mem>>) src(%dma_wait3A_96 : memref<1000000x64xf32, #tpu.memory_space<hbm>>) dst(%dma_wait3A_91 : memref<128x64xf32, #tpu.memory_space<vmem>>)
    %dma_wait3A_97 = arith.constant 256 : i32
    %dma_wait3A_98 = arith.constant 0 : i32
    %dma_wait3A_99 = tpu.memref_slice %arg6[%dma_wait3A_97, %dma_wait3A_98] : memref<1280x64xf32, #tpu.memory_space<vmem>> -> memref<128x64xf32, #tpu.memory_space<vmem>>
    %dma_wait3A_100 = arith.constant 256 : i32
    %dma_wait3A_101 = tpu.memref_slice %arg5[%dma_wait3A_100] : memref<2560xi32, #tpu.memory_space<vmem>> -> memref<128xi32, #tpu.memory_space<vmem>>
    %dma_wait3A_102 = arith.constant 0 : i32
    %dma_wait3A_103 = arith.constant 0 : i32
    %dma_wait3A_104 = tpu.memref_slice %arg3[%dma_wait3A_102, %dma_wait3A_103] : memref<1000000x64xf32, #tpu.memory_space<hbm>> -> memref<1000000x64xf32, #tpu.memory_space<hbm>>
    tpu.wait_indirect_dma semaphore(%arg7 : memref<!tpu.dma_semaphore, #tpu.memory_space<semaphore_mem>>) src(%dma_wait3A_104 : memref<1000000x64xf32, #tpu.memory_space<hbm>>) dst(%dma_wait3A_99 : memref<128x64xf32, #tpu.memory_space<vmem>>)
    %dma_wait3A_105 = arith.constant 384 : i32
    %dma_wait3A_106 = arith.constant 0 : i32
    %dma_wait3A_107 = tpu.memref_slice %arg6[%dma_wait3A_105, %dma_wait3A_106] : memref<1280x64xf32, #tpu.memory_space<vmem>> -> memref<128x64xf32, #tpu.memory_space<vmem>>
    %dma_wait3A_108 = arith.constant 384 : i32
    %dma_wait3A_109 = tpu.memref_slice %arg5[%dma_wait3A_108] : memref<2560xi32, #tpu.memory_space<vmem>> -> memref<128xi32, #tpu.memory_space<vmem>>
    %dma_wait3A_110 = arith.constant 0 : i32
    %dma_wait3A_111 = arith.constant 0 : i32
    %dma_wait3A_112 = tpu.memref_slice %arg3[%dma_wait3A_110, %dma_wait3A_111] : memref<1000000x64xf32, #tpu.memory_space<hbm>> -> memref<1000000x64xf32, #tpu.memory_space<hbm>>
    tpu.wait_indirect_dma semaphore(%arg7 : memref<!tpu.dma_semaphore, #tpu.memory_space<semaphore_mem>>) src(%dma_wait3A_112 : memref<1000000x64xf32, #tpu.memory_space<hbm>>) dst(%dma_wait3A_107 : memref<128x64xf32, #tpu.memory_space<vmem>>)
    %dma_wait3A_113 = arith.constant 512 : i32
    %dma_wait3A_114 = arith.constant 0 : i32
    %dma_wait3A_115 = tpu.memref_slice %arg6[%dma_wait3A_113, %dma_wait3A_114] : memref<1280x64xf32, #tpu.memory_space<vmem>> -> memref<128x64xf32, #tpu.memory_space<vmem>>
    %dma_wait3A_116 = arith.constant 512 : i32
    %dma_wait3A_117 = tpu.memref_slice %arg5[%dma_wait3A_116] : memref<2560xi32, #tpu.memory_space<vmem>> -> memref<128xi32, #tpu.memory_space<vmem>>
    %dma_wait3A_118 = arith.constant 0 : i32
    %dma_wait3A_119 = arith.constant 0 : i32
    %dma_wait3A_120 = tpu.memref_slice %arg3[%dma_wait3A_118, %dma_wait3A_119] : memref<1000000x64xf32, #tpu.memory_space<hbm>> -> memref<1000000x64xf32, #tpu.memory_space<hbm>>
    tpu.wait_indirect_dma semaphore(%arg7 : memref<!tpu.dma_semaphore, #tpu.memory_space<semaphore_mem>>) src(%dma_wait3A_120 : memref<1000000x64xf32, #tpu.memory_space<hbm>>) dst(%dma_wait3A_115 : memref<128x64xf32, #tpu.memory_space<vmem>>)
    %dma_wait3A_121 = arith.constant 640 : i32
    %dma_wait3A_122 = arith.constant 0 : i32
    %dma_wait3A_123 = tpu.memref_slice %arg6[%dma_wait3A_121, %dma_wait3A_122] : memref<1280x64xf32, #tpu.memory_space<vmem>> -> memref<128x64xf32, #tpu.memory_space<vmem>>
    %dma_wait3A_124 = arith.constant 640 : i32
    %dma_wait3A_125 = tpu.memref_slice %arg5[%dma_wait3A_124] : memref<2560xi32, #tpu.memory_space<vmem>> -> memref<128xi32, #tpu.memory_space<vmem>>
    %dma_wait3A_126 = arith.constant 0 : i32
    %dma_wait3A_127 = arith.constant 0 : i32
    %dma_wait3A_128 = tpu.memref_slice %arg3[%dma_wait3A_126, %dma_wait3A_127] : memref<1000000x64xf32, #tpu.memory_space<hbm>> -> memref<1000000x64xf32, #tpu.memory_space<hbm>>
    tpu.wait_indirect_dma semaphore(%arg7 : memref<!tpu.dma_semaphore, #tpu.memory_space<semaphore_mem>>) src(%dma_wait3A_128 : memref<1000000x64xf32, #tpu.memory_space<hbm>>) dst(%dma_wait3A_123 : memref<128x64xf32, #tpu.memory_space<vmem>>)
    %dma_wait3A_129 = arith.constant 768 : i32
    %dma_wait3A_130 = arith.constant 0 : i32
    %dma_wait3A_131 = tpu.memref_slice %arg6[%dma_wait3A_129, %dma_wait3A_130] : memref<1280x64xf32, #tpu.memory_space<vmem>> -> memref<128x64xf32, #tpu.memory_space<vmem>>
    %dma_wait3A_132 = arith.constant 768 : i32
    %dma_wait3A_133 = tpu.memref_slice %arg5[%dma_wait3A_132] : memref<2560xi32, #tpu.memory_space<vmem>> -> memref<128xi32, #tpu.memory_space<vmem>>
    %dma_wait3A_134 = arith.constant 0 : i32
    %dma_wait3A_135 = arith.constant 0 : i32
    %dma_wait3A_136 = tpu.memref_slice %arg3[%dma_wait3A_134, %dma_wait3A_135] : memref<1000000x64xf32, #tpu.memory_space<hbm>> -> memref<1000000x64xf32, #tpu.memory_space<hbm>>
    tpu.wait_indirect_dma semaphore(%arg7 : memref<!tpu.dma_semaphore, #tpu.memory_space<semaphore_mem>>) src(%dma_wait3A_136 : memref<1000000x64xf32, #tpu.memory_space<hbm>>) dst(%dma_wait3A_131 : memref<128x64xf32, #tpu.memory_space<vmem>>)
    %dma_wait3A_137 = arith.constant 896 : i32
    %dma_wait3A_138 = arith.constant 0 : i32
    %dma_wait3A_139 = tpu.memref_slice %arg6[%dma_wait3A_137, %dma_wait3A_138] : memref<1280x64xf32, #tpu.memory_space<vmem>> -> memref<128x64xf32, #tpu.memory_space<vmem>>
    %dma_wait3A_140 = arith.constant 896 : i32
    %dma_wait3A_141 = tpu.memref_slice %arg5[%dma_wait3A_140] : memref<2560xi32, #tpu.memory_space<vmem>> -> memref<128xi32, #tpu.memory_space<vmem>>
    %dma_wait3A_142 = arith.constant 0 : i32
    %dma_wait3A_143 = arith.constant 0 : i32
    %dma_wait3A_144 = tpu.memref_slice %arg3[%dma_wait3A_142, %dma_wait3A_143] : memref<1000000x64xf32, #tpu.memory_space<hbm>> -> memref<1000000x64xf32, #tpu.memory_space<hbm>>
    tpu.wait_indirect_dma semaphore(%arg7 : memref<!tpu.dma_semaphore, #tpu.memory_space<semaphore_mem>>) src(%dma_wait3A_144 : memref<1000000x64xf32, #tpu.memory_space<hbm>>) dst(%dma_wait3A_139 : memref<128x64xf32, #tpu.memory_space<vmem>>)
    %dma_wait3A_145 = arith.constant 1024 : i32
    %dma_wait3A_146 = arith.constant 0 : i32
    %dma_wait3A_147 = tpu.memref_slice %arg6[%dma_wait3A_145, %dma_wait3A_146] : memref<1280x64xf32, #tpu.memory_space<vmem>> -> memref<128x64xf32, #tpu.memory_space<vmem>>
    %dma_wait3A_148 = arith.constant 1024 : i32
    %dma_wait3A_149 = tpu.memref_slice %arg5[%dma_wait3A_148] : memref<2560xi32, #tpu.memory_space<vmem>> -> memref<128xi32, #tpu.memory_space<vmem>>
    %dma_wait3A_150 = arith.constant 0 : i32
    %dma_wait3A_151 = arith.constant 0 : i32
    %dma_wait3A_152 = tpu.memref_slice %arg3[%dma_wait3A_150, %dma_wait3A_151] : memref<1000000x64xf32, #tpu.memory_space<hbm>> -> memref<1000000x64xf32, #tpu.memory_space<hbm>>
    tpu.wait_indirect_dma semaphore(%arg7 : memref<!tpu.dma_semaphore, #tpu.memory_space<semaphore_mem>>) src(%dma_wait3A_152 : memref<1000000x64xf32, #tpu.memory_space<hbm>>) dst(%dma_wait3A_147 : memref<128x64xf32, #tpu.memory_space<vmem>>)
    %dma_wait3A_153 = arith.constant 1152 : i32
    %dma_wait3A_154 = arith.constant 0 : i32
    %dma_wait3A_155 = tpu.memref_slice %arg6[%dma_wait3A_153, %dma_wait3A_154] : memref<1280x64xf32, #tpu.memory_space<vmem>> -> memref<128x64xf32, #tpu.memory_space<vmem>>
    %dma_wait3A_156 = arith.constant 1152 : i32
    %dma_wait3A_157 = tpu.memref_slice %arg5[%dma_wait3A_156] : memref<2560xi32, #tpu.memory_space<vmem>> -> memref<128xi32, #tpu.memory_space<vmem>>
    %dma_wait3A_158 = arith.constant 0 : i32
    %dma_wait3A_159 = arith.constant 0 : i32
    %dma_wait3A_160 = tpu.memref_slice %arg3[%dma_wait3A_158, %dma_wait3A_159] : memref<1000000x64xf32, #tpu.memory_space<hbm>> -> memref<1000000x64xf32, #tpu.memory_space<hbm>>
    tpu.wait_indirect_dma semaphore(%arg7 : memref<!tpu.dma_semaphore, #tpu.memory_space<semaphore_mem>>) src(%dma_wait3A_160 : memref<1000000x64xf32, #tpu.memory_space<hbm>>) dst(%dma_wait3A_155 : memref<128x64xf32, #tpu.memory_space<vmem>>)
    %add3A_161 = arith.constant 0 : i32
    %add3A_162 = arith.addi %mul3A_2, %add3A_161 : i32
    "tpu.region"() ({
      %run_scoped3A = tpu.sem_alloc : memref<!tpu.dma_semaphore, #tpu.memory_space<semaphore_mem>>
      %dma_start3A_325 = arith.constant 0 : i32
      %dma_start3A_326 = tpu.memref_slice %arg4[%add3A_162, %dma_start3A_325] : memref<81920x64xf32, #tpu.memory_space<hbm>> -> memref<1280x64xf32, #tpu.memory_space<hbm>>
      %dma_start3A_327 = arith.constant 0 : i32
      %dma_start3A_328 = tpu.memref_slice %arg4[%add3A_162, %dma_start3A_327] : memref<81920x64xf32, #tpu.memory_space<hbm>> -> memref<1280x64xf32, #tpu.memory_space<hbm>>
      tpu.enqueue_dma source(%arg6 : memref<1280x64xf32, #tpu.memory_space<vmem>>) target(%dma_start3A_328 : memref<1280x64xf32, #tpu.memory_space<hbm>>) target_semaphore(%run_scoped3A : memref<!tpu.dma_semaphore, #tpu.memory_space<semaphore_mem>>)
      %dma_wait3A_329 = arith.constant 0 : i32
      %dma_wait3A_330 = tpu.memref_slice %arg4[%add3A_162, %dma_wait3A_329] : memref<81920x64xf32, #tpu.memory_space<hbm>> -> memref<1280x64xf32, #tpu.memory_space<hbm>>
      %dma_wait3A_331 = arith.constant 0 : i32
      %dma_wait3A_332 = tpu.memref_slice %arg4[%add3A_162, %dma_wait3A_331] : memref<81920x64xf32, #tpu.memory_space<hbm>> -> memref<1280x64xf32, #tpu.memory_space<hbm>>
      tpu.wait_dma2 semaphore(%run_scoped3A : memref<!tpu.dma_semaphore, #tpu.memory_space<semaphore_mem>>) src(%arg6 : memref<1280x64xf32, #tpu.memory_space<vmem>>) dst(%dma_wait3A_332 : memref<1280x64xf32, #tpu.memory_space<hbm>>)
      tpu.yield
    }) : () -> ()
    %dma_start3A_163 = arith.constant 0 : i32
    %dma_start3A_164 = arith.constant 0 : i32
    %dma_start3A_165 = tpu.memref_slice %arg6[%dma_start3A_163, %dma_start3A_164] : memref<1280x64xf32, #tpu.memory_space<vmem>> -> memref<128x64xf32, #tpu.memory_space<vmem>>
    %dma_start3A_166 = arith.constant 1280 : i32
    %dma_start3A_167 = tpu.memref_slice %arg5[%dma_start3A_166] : memref<2560xi32, #tpu.memory_space<vmem>> -> memref<128xi32, #tpu.memory_space<vmem>>
    %dma_start3A_168 = arith.constant 0 : i32
    %dma_start3A_169 = arith.constant 0 : i32
    %dma_start3A_170 = tpu.memref_slice %arg3[%dma_start3A_168, %dma_start3A_169] : memref<1000000x64xf32, #tpu.memory_space<hbm>> -> memref<1000000x64xf32, #tpu.memory_space<hbm>>
    tpu.enqueue_indirect_dma source(%dma_start3A_170 : memref<1000000x64xf32, #tpu.memory_space<hbm>>) target(%dma_start3A_165 : memref<128x64xf32, #tpu.memory_space<vmem>>) offsets(%dma_start3A_167 : memref<128xi32, #tpu.memory_space<vmem>>) semaphore(%arg7 : memref<!tpu.dma_semaphore, #tpu.memory_space<semaphore_mem>>)
    %dma_start3A_171 = arith.constant 128 : i32
    %dma_start3A_172 = arith.constant 0 : i32
    %dma_start3A_173 = tpu.memref_slice %arg6[%dma_start3A_171, %dma_start3A_172] : memref<1280x64xf32, #tpu.memory_space<vmem>> -> memref<128x64xf32, #tpu.memory_space<vmem>>
    %dma_start3A_174 = arith.constant 1408 : i32
    %dma_start3A_175 = tpu.memref_slice %arg5[%dma_start3A_174] : memref<2560xi32, #tpu.memory_space<vmem>> -> memref<128xi32, #tpu.memory_space<vmem>>
    %dma_start3A_176 = arith.constant 0 : i32
    %dma_start3A_177 = arith.constant 0 : i32
    %dma_start3A_178 = tpu.memref_slice %arg3[%dma_start3A_176, %dma_start3A_177] : memref<1000000x64xf32, #tpu.memory_space<hbm>> -> memref<1000000x64xf32, #tpu.memory_space<hbm>>
    tpu.enqueue_indirect_dma source(%dma_start3A_178 : memref<1000000x64xf32, #tpu.memory_space<hbm>>) target(%dma_start3A_173 : memref<128x64xf32, #tpu.memory_space<vmem>>) offsets(%dma_start3A_175 : memref<128xi32, #tpu.memory_space<vmem>>) semaphore(%arg7 : memref<!tpu.dma_semaphore, #tpu.memory_space<semaphore_mem>>)
    %dma_start3A_179 = arith.constant 256 : i32
    %dma_start3A_180 = arith.constant 0 : i32
    %dma_start3A_181 = tpu.memref_slice %arg6[%dma_start3A_179, %dma_start3A_180] : memref<1280x64xf32, #tpu.memory_space<vmem>> -> memref<128x64xf32, #tpu.memory_space<vmem>>
    %dma_start3A_182 = arith.constant 1536 : i32
    %dma_start3A_183 = tpu.memref_slice %arg5[%dma_start3A_182] : memref<2560xi32, #tpu.memory_space<vmem>> -> memref<128xi32, #tpu.memory_space<vmem>>
    %dma_start3A_184 = arith.constant 0 : i32
    %dma_start3A_185 = arith.constant 0 : i32
    %dma_start3A_186 = tpu.memref_slice %arg3[%dma_start3A_184, %dma_start3A_185] : memref<1000000x64xf32, #tpu.memory_space<hbm>> -> memref<1000000x64xf32, #tpu.memory_space<hbm>>
    tpu.enqueue_indirect_dma source(%dma_start3A_186 : memref<1000000x64xf32, #tpu.memory_space<hbm>>) target(%dma_start3A_181 : memref<128x64xf32, #tpu.memory_space<vmem>>) offsets(%dma_start3A_183 : memref<128xi32, #tpu.memory_space<vmem>>) semaphore(%arg7 : memref<!tpu.dma_semaphore, #tpu.memory_space<semaphore_mem>>)
    %dma_start3A_187 = arith.constant 384 : i32
    %dma_start3A_188 = arith.constant 0 : i32
    %dma_start3A_189 = tpu.memref_slice %arg6[%dma_start3A_187, %dma_start3A_188] : memref<1280x64xf32, #tpu.memory_space<vmem>> -> memref<128x64xf32, #tpu.memory_space<vmem>>
    %dma_start3A_190 = arith.constant 1664 : i32
    %dma_start3A_191 = tpu.memref_slice %arg5[%dma_start3A_190] : memref<2560xi32, #tpu.memory_space<vmem>> -> memref<128xi32, #tpu.memory_space<vmem>>
    %dma_start3A_192 = arith.constant 0 : i32
    %dma_start3A_193 = arith.constant 0 : i32
    %dma_start3A_194 = tpu.memref_slice %arg3[%dma_start3A_192, %dma_start3A_193] : memref<1000000x64xf32, #tpu.memory_space<hbm>> -> memref<1000000x64xf32, #tpu.memory_space<hbm>>
    tpu.enqueue_indirect_dma source(%dma_start3A_194 : memref<1000000x64xf32, #tpu.memory_space<hbm>>) target(%dma_start3A_189 : memref<128x64xf32, #tpu.memory_space<vmem>>) offsets(%dma_start3A_191 : memref<128xi32, #tpu.memory_space<vmem>>) semaphore(%arg7 : memref<!tpu.dma_semaphore, #tpu.memory_space<semaphore_mem>>)
    %dma_start3A_195 = arith.constant 512 : i32
    %dma_start3A_196 = arith.constant 0 : i32
    %dma_start3A_197 = tpu.memref_slice %arg6[%dma_start3A_195, %dma_start3A_196] : memref<1280x64xf32, #tpu.memory_space<vmem>> -> memref<128x64xf32, #tpu.memory_space<vmem>>
    %dma_start3A_198 = arith.constant 1792 : i32
    %dma_start3A_199 = tpu.memref_slice %arg5[%dma_start3A_198] : memref<2560xi32, #tpu.memory_space<vmem>> -> memref<128xi32, #tpu.memory_space<vmem>>
    %dma_start3A_200 = arith.constant 0 : i32
    %dma_start3A_201 = arith.constant 0 : i32
    %dma_start3A_202 = tpu.memref_slice %arg3[%dma_start3A_200, %dma_start3A_201] : memref<1000000x64xf32, #tpu.memory_space<hbm>> -> memref<1000000x64xf32, #tpu.memory_space<hbm>>
    tpu.enqueue_indirect_dma source(%dma_start3A_202 : memref<1000000x64xf32, #tpu.memory_space<hbm>>) target(%dma_start3A_197 : memref<128x64xf32, #tpu.memory_space<vmem>>) offsets(%dma_start3A_199 : memref<128xi32, #tpu.memory_space<vmem>>) semaphore(%arg7 : memref<!tpu.dma_semaphore, #tpu.memory_space<semaphore_mem>>)
    %dma_start3A_203 = arith.constant 640 : i32
    %dma_start3A_204 = arith.constant 0 : i32
    %dma_start3A_205 = tpu.memref_slice %arg6[%dma_start3A_203, %dma_start3A_204] : memref<1280x64xf32, #tpu.memory_space<vmem>> -> memref<128x64xf32, #tpu.memory_space<vmem>>
    %dma_start3A_206 = arith.constant 1920 : i32
    %dma_start3A_207 = tpu.memref_slice %arg5[%dma_start3A_206] : memref<2560xi32, #tpu.memory_space<vmem>> -> memref<128xi32, #tpu.memory_space<vmem>>
    %dma_start3A_208 = arith.constant 0 : i32
    %dma_start3A_209 = arith.constant 0 : i32
    %dma_start3A_210 = tpu.memref_slice %arg3[%dma_start3A_208, %dma_start3A_209] : memref<1000000x64xf32, #tpu.memory_space<hbm>> -> memref<1000000x64xf32, #tpu.memory_space<hbm>>
    tpu.enqueue_indirect_dma source(%dma_start3A_210 : memref<1000000x64xf32, #tpu.memory_space<hbm>>) target(%dma_start3A_205 : memref<128x64xf32, #tpu.memory_space<vmem>>) offsets(%dma_start3A_207 : memref<128xi32, #tpu.memory_space<vmem>>) semaphore(%arg7 : memref<!tpu.dma_semaphore, #tpu.memory_space<semaphore_mem>>)
    %dma_start3A_211 = arith.constant 768 : i32
    %dma_start3A_212 = arith.constant 0 : i32
    %dma_start3A_213 = tpu.memref_slice %arg6[%dma_start3A_211, %dma_start3A_212] : memref<1280x64xf32, #tpu.memory_space<vmem>> -> memref<128x64xf32, #tpu.memory_space<vmem>>
    %dma_start3A_214 = arith.constant 2048 : i32
    %dma_start3A_215 = tpu.memref_slice %arg5[%dma_start3A_214] : memref<2560xi32, #tpu.memory_space<vmem>> -> memref<128xi32, #tpu.memory_space<vmem>>
    %dma_start3A_216 = arith.constant 0 : i32
    %dma_start3A_217 = arith.constant 0 : i32
    %dma_start3A_218 = tpu.memref_slice %arg3[%dma_start3A_216, %dma_start3A_217] : memref<1000000x64xf32, #tpu.memory_space<hbm>> -> memref<1000000x64xf32, #tpu.memory_space<hbm>>
    tpu.enqueue_indirect_dma source(%dma_start3A_218 : memref<1000000x64xf32, #tpu.memory_space<hbm>>) target(%dma_start3A_213 : memref<128x64xf32, #tpu.memory_space<vmem>>) offsets(%dma_start3A_215 : memref<128xi32, #tpu.memory_space<vmem>>) semaphore(%arg7 : memref<!tpu.dma_semaphore, #tpu.memory_space<semaphore_mem>>)
    %dma_start3A_219 = arith.constant 896 : i32
    %dma_start3A_220 = arith.constant 0 : i32
    %dma_start3A_221 = tpu.memref_slice %arg6[%dma_start3A_219, %dma_start3A_220] : memref<1280x64xf32, #tpu.memory_space<vmem>> -> memref<128x64xf32, #tpu.memory_space<vmem>>
    %dma_start3A_222 = arith.constant 2176 : i32
    %dma_start3A_223 = tpu.memref_slice %arg5[%dma_start3A_222] : memref<2560xi32, #tpu.memory_space<vmem>> -> memref<128xi32, #tpu.memory_space<vmem>>
    %dma_start3A_224 = arith.constant 0 : i32
    %dma_start3A_225 = arith.constant 0 : i32
    %dma_start3A_226 = tpu.memref_slice %arg3[%dma_start3A_224, %dma_start3A_225] : memref<1000000x64xf32, #tpu.memory_space<hbm>> -> memref<1000000x64xf32, #tpu.memory_space<hbm>>
    tpu.enqueue_indirect_dma source(%dma_start3A_226 : memref<1000000x64xf32, #tpu.memory_space<hbm>>) target(%dma_start3A_221 : memref<128x64xf32, #tpu.memory_space<vmem>>) offsets(%dma_start3A_223 : memref<128xi32, #tpu.memory_space<vmem>>) semaphore(%arg7 : memref<!tpu.dma_semaphore, #tpu.memory_space<semaphore_mem>>)
    %dma_start3A_227 = arith.constant 1024 : i32
    %dma_start3A_228 = arith.constant 0 : i32
    %dma_start3A_229 = tpu.memref_slice %arg6[%dma_start3A_227, %dma_start3A_228] : memref<1280x64xf32, #tpu.memory_space<vmem>> -> memref<128x64xf32, #tpu.memory_space<vmem>>
    %dma_start3A_230 = arith.constant 2304 : i32
    %dma_start3A_231 = tpu.memref_slice %arg5[%dma_start3A_230] : memref<2560xi32, #tpu.memory_space<vmem>> -> memref<128xi32, #tpu.memory_space<vmem>>
    %dma_start3A_232 = arith.constant 0 : i32
    %dma_start3A_233 = arith.constant 0 : i32
    %dma_start3A_234 = tpu.memref_slice %arg3[%dma_start3A_232, %dma_start3A_233] : memref<1000000x64xf32, #tpu.memory_space<hbm>> -> memref<1000000x64xf32, #tpu.memory_space<hbm>>
    tpu.enqueue_indirect_dma source(%dma_start3A_234 : memref<1000000x64xf32, #tpu.memory_space<hbm>>) target(%dma_start3A_229 : memref<128x64xf32, #tpu.memory_space<vmem>>) offsets(%dma_start3A_231 : memref<128xi32, #tpu.memory_space<vmem>>) semaphore(%arg7 : memref<!tpu.dma_semaphore, #tpu.memory_space<semaphore_mem>>)
    %dma_start3A_235 = arith.constant 1152 : i32
    %dma_start3A_236 = arith.constant 0 : i32
    %dma_start3A_237 = tpu.memref_slice %arg6[%dma_start3A_235, %dma_start3A_236] : memref<1280x64xf32, #tpu.memory_space<vmem>> -> memref<128x64xf32, #tpu.memory_space<vmem>>
    %dma_start3A_238 = arith.constant 2432 : i32
    %dma_start3A_239 = tpu.memref_slice %arg5[%dma_start3A_238] : memref<2560xi32, #tpu.memory_space<vmem>> -> memref<128xi32, #tpu.memory_space<vmem>>
    %dma_start3A_240 = arith.constant 0 : i32
    %dma_start3A_241 = arith.constant 0 : i32
    %dma_start3A_242 = tpu.memref_slice %arg3[%dma_start3A_240, %dma_start3A_241] : memref<1000000x64xf32, #tpu.memory_space<hbm>> -> memref<1000000x64xf32, #tpu.memory_space<hbm>>
    tpu.enqueue_indirect_dma source(%dma_start3A_242 : memref<1000000x64xf32, #tpu.memory_space<hbm>>) target(%dma_start3A_237 : memref<128x64xf32, #tpu.memory_space<vmem>>) offsets(%dma_start3A_239 : memref<128xi32, #tpu.memory_space<vmem>>) semaphore(%arg7 : memref<!tpu.dma_semaphore, #tpu.memory_space<semaphore_mem>>)
    %dma_wait3A_243 = arith.constant 0 : i32
    %dma_wait3A_244 = arith.constant 0 : i32
    %dma_wait3A_245 = tpu.memref_slice %arg6[%dma_wait3A_243, %dma_wait3A_244] : memref<1280x64xf32, #tpu.memory_space<vmem>> -> memref<128x64xf32, #tpu.memory_space<vmem>>
    %dma_wait3A_246 = arith.constant 1280 : i32
    %dma_wait3A_247 = tpu.memref_slice %arg5[%dma_wait3A_246] : memref<2560xi32, #tpu.memory_space<vmem>> -> memref<128xi32, #tpu.memory_space<vmem>>
    %dma_wait3A_248 = arith.constant 0 : i32
    %dma_wait3A_249 = arith.constant 0 : i32
    %dma_wait3A_250 = tpu.memref_slice %arg3[%dma_wait3A_248, %dma_wait3A_249] : memref<1000000x64xf32, #tpu.memory_space<hbm>> -> memref<1000000x64xf32, #tpu.memory_space<hbm>>
    tpu.wait_indirect_dma semaphore(%arg7 : memref<!tpu.dma_semaphore, #tpu.memory_space<semaphore_mem>>) src(%dma_wait3A_250 : memref<1000000x64xf32, #tpu.memory_space<hbm>>) dst(%dma_wait3A_245 : memref<128x64xf32, #tpu.memory_space<vmem>>)
    %dma_wait3A_251 = arith.constant 128 : i32
    %dma_wait3A_252 = arith.constant 0 : i32
    %dma_wait3A_253 = tpu.memref_slice %arg6[%dma_wait3A_251, %dma_wait3A_252] : memref<1280x64xf32, #tpu.memory_space<vmem>> -> memref<128x64xf32, #tpu.memory_space<vmem>>
    %dma_wait3A_254 = arith.constant 1408 : i32
    %dma_wait3A_255 = tpu.memref_slice %arg5[%dma_wait3A_254] : memref<2560xi32, #tpu.memory_space<vmem>> -> memref<128xi32, #tpu.memory_space<vmem>>
    %dma_wait3A_256 = arith.constant 0 : i32
    %dma_wait3A_257 = arith.constant 0 : i32
    %dma_wait3A_258 = tpu.memref_slice %arg3[%dma_wait3A_256, %dma_wait3A_257] : memref<1000000x64xf32, #tpu.memory_space<hbm>> -> memref<1000000x64xf32, #tpu.memory_space<hbm>>
    tpu.wait_indirect_dma semaphore(%arg7 : memref<!tpu.dma_semaphore, #tpu.memory_space<semaphore_mem>>) src(%dma_wait3A_258 : memref<1000000x64xf32, #tpu.memory_space<hbm>>) dst(%dma_wait3A_253 : memref<128x64xf32, #tpu.memory_space<vmem>>)
    %dma_wait3A_259 = arith.constant 256 : i32
    %dma_wait3A_260 = arith.constant 0 : i32
    %dma_wait3A_261 = tpu.memref_slice %arg6[%dma_wait3A_259, %dma_wait3A_260] : memref<1280x64xf32, #tpu.memory_space<vmem>> -> memref<128x64xf32, #tpu.memory_space<vmem>>
    %dma_wait3A_262 = arith.constant 1536 : i32
    %dma_wait3A_263 = tpu.memref_slice %arg5[%dma_wait3A_262] : memref<2560xi32, #tpu.memory_space<vmem>> -> memref<128xi32, #tpu.memory_space<vmem>>
    %dma_wait3A_264 = arith.constant 0 : i32
    %dma_wait3A_265 = arith.constant 0 : i32
    %dma_wait3A_266 = tpu.memref_slice %arg3[%dma_wait3A_264, %dma_wait3A_265] : memref<1000000x64xf32, #tpu.memory_space<hbm>> -> memref<1000000x64xf32, #tpu.memory_space<hbm>>
    tpu.wait_indirect_dma semaphore(%arg7 : memref<!tpu.dma_semaphore, #tpu.memory_space<semaphore_mem>>) src(%dma_wait3A_266 : memref<1000000x64xf32, #tpu.memory_space<hbm>>) dst(%dma_wait3A_261 : memref<128x64xf32, #tpu.memory_space<vmem>>)
    %dma_wait3A_267 = arith.constant 384 : i32
    %dma_wait3A_268 = arith.constant 0 : i32
    %dma_wait3A_269 = tpu.memref_slice %arg6[%dma_wait3A_267, %dma_wait3A_268] : memref<1280x64xf32, #tpu.memory_space<vmem>> -> memref<128x64xf32, #tpu.memory_space<vmem>>
    %dma_wait3A_270 = arith.constant 1664 : i32
    %dma_wait3A_271 = tpu.memref_slice %arg5[%dma_wait3A_270] : memref<2560xi32, #tpu.memory_space<vmem>> -> memref<128xi32, #tpu.memory_space<vmem>>
    %dma_wait3A_272 = arith.constant 0 : i32
    %dma_wait3A_273 = arith.constant 0 : i32
    %dma_wait3A_274 = tpu.memref_slice %arg3[%dma_wait3A_272, %dma_wait3A_273] : memref<1000000x64xf32, #tpu.memory_space<hbm>> -> memref<1000000x64xf32, #tpu.memory_space<hbm>>
    tpu.wait_indirect_dma semaphore(%arg7 : memref<!tpu.dma_semaphore, #tpu.memory_space<semaphore_mem>>) src(%dma_wait3A_274 : memref<1000000x64xf32, #tpu.memory_space<hbm>>) dst(%dma_wait3A_269 : memref<128x64xf32, #tpu.memory_space<vmem>>)
    %dma_wait3A_275 = arith.constant 512 : i32
    %dma_wait3A_276 = arith.constant 0 : i32
    %dma_wait3A_277 = tpu.memref_slice %arg6[%dma_wait3A_275, %dma_wait3A_276] : memref<1280x64xf32, #tpu.memory_space<vmem>> -> memref<128x64xf32, #tpu.memory_space<vmem>>
    %dma_wait3A_278 = arith.constant 1792 : i32
    %dma_wait3A_279 = tpu.memref_slice %arg5[%dma_wait3A_278] : memref<2560xi32, #tpu.memory_space<vmem>> -> memref<128xi32, #tpu.memory_space<vmem>>
    %dma_wait3A_280 = arith.constant 0 : i32
    %dma_wait3A_281 = arith.constant 0 : i32
    %dma_wait3A_282 = tpu.memref_slice %arg3[%dma_wait3A_280, %dma_wait3A_281] : memref<1000000x64xf32, #tpu.memory_space<hbm>> -> memref<1000000x64xf32, #tpu.memory_space<hbm>>
    tpu.wait_indirect_dma semaphore(%arg7 : memref<!tpu.dma_semaphore, #tpu.memory_space<semaphore_mem>>) src(%dma_wait3A_282 : memref<1000000x64xf32, #tpu.memory_space<hbm>>) dst(%dma_wait3A_277 : memref<128x64xf32, #tpu.memory_space<vmem>>)
    %dma_wait3A_283 = arith.constant 640 : i32
    %dma_wait3A_284 = arith.constant 0 : i32
    %dma_wait3A_285 = tpu.memref_slice %arg6[%dma_wait3A_283, %dma_wait3A_284] : memref<1280x64xf32, #tpu.memory_space<vmem>> -> memref<128x64xf32, #tpu.memory_space<vmem>>
    %dma_wait3A_286 = arith.constant 1920 : i32
    %dma_wait3A_287 = tpu.memref_slice %arg5[%dma_wait3A_286] : memref<2560xi32, #tpu.memory_space<vmem>> -> memref<128xi32, #tpu.memory_space<vmem>>
    %dma_wait3A_288 = arith.constant 0 : i32
    %dma_wait3A_289 = arith.constant 0 : i32
    %dma_wait3A_290 = tpu.memref_slice %arg3[%dma_wait3A_288, %dma_wait3A_289] : memref<1000000x64xf32, #tpu.memory_space<hbm>> -> memref<1000000x64xf32, #tpu.memory_space<hbm>>
    tpu.wait_indirect_dma semaphore(%arg7 : memref<!tpu.dma_semaphore, #tpu.memory_space<semaphore_mem>>) src(%dma_wait3A_290 : memref<1000000x64xf32, #tpu.memory_space<hbm>>) dst(%dma_wait3A_285 : memref<128x64xf32, #tpu.memory_space<vmem>>)
    %dma_wait3A_291 = arith.constant 768 : i32
    %dma_wait3A_292 = arith.constant 0 : i32
    %dma_wait3A_293 = tpu.memref_slice %arg6[%dma_wait3A_291, %dma_wait3A_292] : memref<1280x64xf32, #tpu.memory_space<vmem>> -> memref<128x64xf32, #tpu.memory_space<vmem>>
    %dma_wait3A_294 = arith.constant 2048 : i32
    %dma_wait3A_295 = tpu.memref_slice %arg5[%dma_wait3A_294] : memref<2560xi32, #tpu.memory_space<vmem>> -> memref<128xi32, #tpu.memory_space<vmem>>
    %dma_wait3A_296 = arith.constant 0 : i32
    %dma_wait3A_297 = arith.constant 0 : i32
    %dma_wait3A_298 = tpu.memref_slice %arg3[%dma_wait3A_296, %dma_wait3A_297] : memref<1000000x64xf32, #tpu.memory_space<hbm>> -> memref<1000000x64xf32, #tpu.memory_space<hbm>>
    tpu.wait_indirect_dma semaphore(%arg7 : memref<!tpu.dma_semaphore, #tpu.memory_space<semaphore_mem>>) src(%dma_wait3A_298 : memref<1000000x64xf32, #tpu.memory_space<hbm>>) dst(%dma_wait3A_293 : memref<128x64xf32, #tpu.memory_space<vmem>>)
    %dma_wait3A_299 = arith.constant 896 : i32
    %dma_wait3A_300 = arith.constant 0 : i32
    %dma_wait3A_301 = tpu.memref_slice %arg6[%dma_wait3A_299, %dma_wait3A_300] : memref<1280x64xf32, #tpu.memory_space<vmem>> -> memref<128x64xf32, #tpu.memory_space<vmem>>
    %dma_wait3A_302 = arith.constant 2176 : i32
    %dma_wait3A_303 = tpu.memref_slice %arg5[%dma_wait3A_302] : memref<2560xi32, #tpu.memory_space<vmem>> -> memref<128xi32, #tpu.memory_space<vmem>>
    %dma_wait3A_304 = arith.constant 0 : i32
    %dma_wait3A_305 = arith.constant 0 : i32
    %dma_wait3A_306 = tpu.memref_slice %arg3[%dma_wait3A_304, %dma_wait3A_305] : memref<1000000x64xf32, #tpu.memory_space<hbm>> -> memref<1000000x64xf32, #tpu.memory_space<hbm>>
    tpu.wait_indirect_dma semaphore(%arg7 : memref<!tpu.dma_semaphore, #tpu.memory_space<semaphore_mem>>) src(%dma_wait3A_306 : memref<1000000x64xf32, #tpu.memory_space<hbm>>) dst(%dma_wait3A_301 : memref<128x64xf32, #tpu.memory_space<vmem>>)
    %dma_wait3A_307 = arith.constant 1024 : i32
    %dma_wait3A_308 = arith.constant 0 : i32
    %dma_wait3A_309 = tpu.memref_slice %arg6[%dma_wait3A_307, %dma_wait3A_308] : memref<1280x64xf32, #tpu.memory_space<vmem>> -> memref<128x64xf32, #tpu.memory_space<vmem>>
    %dma_wait3A_310 = arith.constant 2304 : i32
    %dma_wait3A_311 = tpu.memref_slice %arg5[%dma_wait3A_310] : memref<2560xi32, #tpu.memory_space<vmem>> -> memref<128xi32, #tpu.memory_space<vmem>>
    %dma_wait3A_312 = arith.constant 0 : i32
    %dma_wait3A_313 = arith.constant 0 : i32
    %dma_wait3A_314 = tpu.memref_slice %arg3[%dma_wait3A_312, %dma_wait3A_313] : memref<1000000x64xf32, #tpu.memory_space<hbm>> -> memref<1000000x64xf32, #tpu.memory_space<hbm>>
    tpu.wait_indirect_dma semaphore(%arg7 : memref<!tpu.dma_semaphore, #tpu.memory_space<semaphore_mem>>) src(%dma_wait3A_314 : memref<1000000x64xf32, #tpu.memory_space<hbm>>) dst(%dma_wait3A_309 : memref<128x64xf32, #tpu.memory_space<vmem>>)
    %dma_wait3A_315 = arith.constant 1152 : i32
    %dma_wait3A_316 = arith.constant 0 : i32
    %dma_wait3A_317 = tpu.memref_slice %arg6[%dma_wait3A_315, %dma_wait3A_316] : memref<1280x64xf32, #tpu.memory_space<vmem>> -> memref<128x64xf32, #tpu.memory_space<vmem>>
    %dma_wait3A_318 = arith.constant 2432 : i32
    %dma_wait3A_319 = tpu.memref_slice %arg5[%dma_wait3A_318] : memref<2560xi32, #tpu.memory_space<vmem>> -> memref<128xi32, #tpu.memory_space<vmem>>
    %dma_wait3A_320 = arith.constant 0 : i32
    %dma_wait3A_321 = arith.constant 0 : i32
    %dma_wait3A_322 = tpu.memref_slice %arg3[%dma_wait3A_320, %dma_wait3A_321] : memref<1000000x64xf32, #tpu.memory_space<hbm>> -> memref<1000000x64xf32, #tpu.memory_space<hbm>>
    tpu.wait_indirect_dma semaphore(%arg7 : memref<!tpu.dma_semaphore, #tpu.memory_space<semaphore_mem>>) src(%dma_wait3A_322 : memref<1000000x64xf32, #tpu.memory_space<hbm>>) dst(%dma_wait3A_317 : memref<128x64xf32, #tpu.memory_space<vmem>>)
    %add3A_323 = arith.constant 1280 : i32
    %add3A_324 = arith.addi %mul3A_2, %add3A_323 : i32
    "tpu.region"() ({
      %run_scoped3A = tpu.sem_alloc : memref<!tpu.dma_semaphore, #tpu.memory_space<semaphore_mem>>
      %dma_start3A_325 = arith.constant 0 : i32
      %dma_start3A_326 = tpu.memref_slice %arg4[%add3A_324, %dma_start3A_325] : memref<81920x64xf32, #tpu.memory_space<hbm>> -> memref<1280x64xf32, #tpu.memory_space<hbm>>
      %dma_start3A_327 = arith.constant 0 : i32
      %dma_start3A_328 = tpu.memref_slice %arg4[%add3A_324, %dma_start3A_327] : memref<81920x64xf32, #tpu.memory_space<hbm>> -> memref<1280x64xf32, #tpu.memory_space<hbm>>
      tpu.enqueue_dma source(%arg6 : memref<1280x64xf32, #tpu.memory_space<vmem>>) target(%dma_start3A_328 : memref<1280x64xf32, #tpu.memory_space<hbm>>) target_semaphore(%run_scoped3A : memref<!tpu.dma_semaphore, #tpu.memory_space<semaphore_mem>>)
      %dma_wait3A_329 = arith.constant 0 : i32
      %dma_wait3A_330 = tpu.memref_slice %arg4[%add3A_324, %dma_wait3A_329] : memref<81920x64xf32, #tpu.memory_space<hbm>> -> memref<1280x64xf32, #tpu.memory_space<hbm>>
      %dma_wait3A_331 = arith.constant 0 : i32
      %dma_wait3A_332 = tpu.memref_slice %arg4[%add3A_324, %dma_wait3A_331] : memref<81920x64xf32, #tpu.memory_space<hbm>> -> memref<1280x64xf32, #tpu.memory_space<hbm>>
      tpu.wait_dma2 semaphore(%run_scoped3A : memref<!tpu.dma_semaphore, #tpu.memory_space<semaphore_mem>>) src(%arg6 : memref<1280x64xf32, #tpu.memory_space<vmem>>) dst(%dma_wait3A_332 : memref<1280x64xf32, #tpu.memory_space<hbm>>)
      tpu.yield
    }) : () -> ()
    return
  }
}

module attributes {stable_mosaic.version = 14 : i64} {
  func.func @_stats_kernel(%arg0: i32, %arg1: memref<8x8x512xf32, #tpu.memory_space<vmem>>, %arg2: memref<1024x64xf32, #tpu.memory_space<vmem>>, %arg3: memref<2x512xf32, #tpu.memory_space<vmem>>, %arg4: memref<64x64xf32, #tpu.memory_space<vmem>>, %arg5: memref<8x64xf32, #tpu.memory_space<vmem>>, %arg6: memref<1x64xf32, #tpu.memory_space<vmem>>, %arg7: memref<1x8xf32, #tpu.memory_space<vmem>>, %arg8: memref<1x8xf32, #tpu.memory_space<vmem>>) attributes {dimension_semantics = [#tpu.dimension_semantics<arbitrary>], iteration_bounds = array<i64: 80>, scalar_prefetch = 0 : i64, scratch_operands = 5 : i64, tpu.core_type = #tpu.core_type<tc>, window_params = [{pipeline_mode = #tpu.pipeline_mode<synchronous>, transform_indices = @transform_0, window_bounds = array<i64: 8, 8, 512>}, {transform_indices = @transform_1, window_bounds = array<i64: 1024, 64>}, {pipeline_mode = #tpu.pipeline_mode<synchronous>, transform_indices = @transform_2, window_bounds = array<i64: 2, 512>}]} {
    %eq3A = arith.constant 0 : i32
    %eq3A_0 = arith.cmpi eq, %arg0, %eq3A : i32
    %convert_element_type3A = arith.extui %eq3A_0 : i1 to i32
    %cond3A = arith.constant 0 : i32
    %cond3A_1 = arith.cmpi ne, %convert_element_type3A, %cond3A : i32
    scf.if %cond3A_1 {
      %broadcast_in_dim3A_84 = arith.constant 0.000000e+00 : f32
      %broadcast_in_dim3A_85 = vector.broadcast %broadcast_in_dim3A_84 : f32 to vector<64x64xf32>
      %swap3A_86 = arith.constant 0 : index
      %swap3A_87 = arith.constant 0 : index
      %swap3A_88 = vector.load %arg4[%swap3A_86, %swap3A_87] : memref<64x64xf32, #tpu.memory_space<vmem>>, vector<64x64xf32>
      tpu.vector_store %arg4[%swap3A_86, %swap3A_87], %broadcast_in_dim3A_85 {strides = array<i32>} : memref<64x64xf32, #tpu.memory_space<vmem>>, vector<64x64xf32>,
      %broadcast_in_dim3A_89 = arith.constant 0.000000e+00 : f32
      %broadcast_in_dim3A_90 = vector.broadcast %broadcast_in_dim3A_89 : f32 to vector<8x64xf32>
      %swap3A_91 = arith.constant 0 : index
      %swap3A_92 = arith.constant 0 : index
      %swap3A_93 = vector.load %arg5[%swap3A_91, %swap3A_92] : memref<8x64xf32, #tpu.memory_space<vmem>>, vector<8x64xf32>
      tpu.vector_store %arg5[%swap3A_91, %swap3A_92], %broadcast_in_dim3A_90 {strides = array<i32>} : memref<8x64xf32, #tpu.memory_space<vmem>>, vector<8x64xf32>,
      %broadcast_in_dim3A_94 = arith.constant 0.000000e+00 : f32
      %broadcast_in_dim3A_95 = vector.broadcast %broadcast_in_dim3A_94 : f32 to vector<1x64xf32>
      %swap3A_96 = arith.constant 0 : index
      %swap3A_97 = arith.constant 0 : index
      %swap3A_98 = vector.load %arg6[%swap3A_96, %swap3A_97] : memref<1x64xf32, #tpu.memory_space<vmem>>, vector<1x64xf32>
      tpu.vector_store %arg6[%swap3A_96, %swap3A_97], %broadcast_in_dim3A_95 {strides = array<i32>} : memref<1x64xf32, #tpu.memory_space<vmem>>, vector<1x64xf32>,
      %broadcast_in_dim3A_99 = arith.constant 0.000000e+00 : f32
      %broadcast_in_dim3A_100 = vector.broadcast %broadcast_in_dim3A_99 : f32 to vector<1x8xf32>
      %swap3A_101 = arith.constant 0 : index
      %swap3A_102 = arith.constant 0 : index
      %swap3A_103 = vector.load %arg7[%swap3A_101, %swap3A_102] : memref<1x8xf32, #tpu.memory_space<vmem>>, vector<1x8xf32>
      tpu.vector_store %arg7[%swap3A_101, %swap3A_102], %broadcast_in_dim3A_100 {strides = array<i32>} : memref<1x8xf32, #tpu.memory_space<vmem>>, vector<1x8xf32>,
      %broadcast_in_dim3A_104 = arith.constant 0.000000e+00 : f32
      %broadcast_in_dim3A_105 = vector.broadcast %broadcast_in_dim3A_104 : f32 to vector<1x8xf32>
      %swap3A_106 = arith.constant 0 : index
      %swap3A_107 = arith.constant 0 : index
      %swap3A_108 = vector.load %arg8[%swap3A_106, %swap3A_107] : memref<1x8xf32, #tpu.memory_space<vmem>>, vector<1x8xf32>
      tpu.vector_store %arg8[%swap3A_106, %swap3A_107], %broadcast_in_dim3A_105 {strides = array<i32>} : memref<1x8xf32, #tpu.memory_space<vmem>>, vector<1x8xf32>,
    } else {
    }
    %get3A = arith.constant 0 : index
    %get3A_2 = arith.constant 0 : index
    %get3A_3 = vector.load %arg2[%get3A, %get3A_2] : memref<1024x64xf32, #tpu.memory_space<vmem>>, vector<1024x64xf32>
    %convert_element_type3A_4 = arith.truncf %get3A_3 : vector<1024x64xf32> to vector<1024x64xbf16>
    %convert_element_type3A_5 = arith.extf %convert_element_type3A_4 : vector<1024x64xbf16> to vector<1024x64xf32>
    %mul3A = arith.mulf %get3A_3, %get3A_3 : vector<1024x64xf32>
    %iota3A = tpu.iota {dimensions = array<i32: 0>} : vector<64x8xi32>
    %jit3A = arith.constant 8 : i32
    %div3A = vector.broadcast %jit3A : i32 to vector<64x8xi32>
    %div3A_6 = arith.divsi %iota3A, %div3A : vector<64x8xi32>
    %sign3A = arith.constant 0 : i32
    %sign3A_7 = vector.broadcast %sign3A : i32 to vector<64x8xi32>
    %sign3A_8 = arith.cmpi sgt, %iota3A, %sign3A_7 : vector<64x8xi32>
    %sign3A_9 = arith.extui %sign3A_8 : vector<64x8xi1> to vector<64x8xi32>
    %sign3A_10 = arith.constant 0 : i32
    %sign3A_11 = vector.broadcast %sign3A_10 : i32 to vector<64x8xi32>
    %sign3A_12 = arith.cmpi slt, %iota3A, %sign3A_11 : vector<64x8xi32>
    %sign3A_13 = arith.extui %sign3A_12 : vector<64x8xi1> to vector<64x8xi32>
    %sign3A_14 = arith.subi %sign3A_9, %sign3A_13 : vector<64x8xi32>
    %sign3A_15 = arith.constant 0 : i32
    %sign3A_16 = arith.cmpi sgt, %jit3A, %sign3A_15 : i32
    %sign3A_17 = arith.extui %sign3A_16 : i1 to i32
    %sign3A_18 = arith.constant 0 : i32
    %sign3A_19 = arith.cmpi slt, %jit3A, %sign3A_18 : i32
    %sign3A_20 = arith.extui %sign3A_19 : i1 to i32
    %sign3A_21 = arith.subi %sign3A_17, %sign3A_20 : i32
    %ne3A = vector.broadcast %sign3A_21 : i32 to vector<64x8xi32>
    %ne3A_22 = arith.cmpi ne, %sign3A_14, %ne3A : vector<64x8xi32>
    %rem3A = vector.broadcast %jit3A : i32 to vector<64x8xi32>
    %rem3A_23 = arith.remsi %iota3A, %rem3A : vector<64x8xi32>
    %ne3A_24 = arith.constant 0 : i32
    %ne3A_25 = vector.broadcast %ne3A_24 : i32 to vector<64x8xi32>
    %ne3A_26 = arith.cmpi ne, %rem3A_23, %ne3A_25 : vector<64x8xi32>
    %and3A = arith.andi %ne3A_22, %ne3A_26 : vector<64x8xi1>
    %sub3A = arith.constant 1 : i32
    %sub3A_27 = vector.broadcast %sub3A : i32 to vector<64x8xi32>
    %sub3A_28 = arith.subi %div3A_6, %sub3A_27 : vector<64x8xi32>
    %select_n3A = arith.select %and3A, %sub3A_28, %div3A_6 : vector<64x8xi1>, vector<64x8xi32>
    %iota3A_29 = tpu.iota {dimensions = array<i32: 1>} : vector<64x8xi32>
    %eq3A_30 = arith.cmpi eq, %select_n3A, %iota3A_29 : vector<64x8xi32>
    %convert_element_type3A_31 = arith.extui %eq3A_30 : vector<64x8xi1> to vector<64x8xi32>
    %convert_element_type3A_32 = arith.sitofp %convert_element_type3A_31 : vector<64x8xi32> to vector<64x8xf32>
    %dot_general3A = arith.constant dense<0.000000e+00> : vector<1024x8xf32>
    %dot_general3A_33 = tpu.matmul %mul3A, %convert_element_type3A_32, %dot_general3A {dimension_numbers = #tpu.dot_dimension_numbers<[1], [0], [0], [1], [0, 0, 1, 1], [], []>, precision = #tpu.contract_precision<fp32>, transpose_lhs_hint = false} : vector<1024x64xf32>, vector<64x8xf32>, vector<1024x8xf32> -> vector<1024x8xf32>
    %get3A_34 = arith.constant 0 : index
    %get3A_35 = arith.constant 0 : index
    %get3A_36 = vector.load %arg4[%get3A_34, %get3A_35] : memref<64x64xf32, #tpu.memory_space<vmem>>, vector<64x64xf32>
    %dot_general3A_37 = arith.constant dense<0.000000e+00> : vector<64x64xf32>
    %dot_general3A_38 = tpu.matmul %convert_element_type3A_5, %convert_element_type3A_5, %dot_general3A_37 {dimension_numbers = #tpu.dot_dimension_numbers<[0], [0], [1], [1], [0, 1, 1, 1], [], []>, precision = #tpu.contract_precision<fp32>, transpose_lhs_hint = false} : vector<1024x64xf32>, vector<1024x64xf32>, vector<64x64xf32> -> vector<64x64xf32>
    %add3A = arith.addf %get3A_36, %dot_general3A_38 : vector<64x64xf32>
    %swap3A = arith.constant 0 : index
    %swap3A_39 = arith.constant 0 : index
    %swap3A_40 = vector.load %arg4[%swap3A, %swap3A_39] : memref<64x64xf32, #tpu.memory_space<vmem>>, vector<64x64xf32>
    tpu.vector_store %arg4[%swap3A, %swap3A_39], %add3A {strides = array<i32>} : memref<64x64xf32, #tpu.memory_space<vmem>>, vector<64x64xf32>,
    %get3A_41 = arith.constant 0 : index
    %get3A_42 = arith.constant 0 : index
    %get3A_43 = vector.load %arg5[%get3A_41, %get3A_42] : memref<8x64xf32, #tpu.memory_space<vmem>>, vector<8x64xf32>
    %dot_general3A_44 = arith.constant dense<0.000000e+00> : vector<8x64xf32>
    %dot_general3A_45 = tpu.matmul %dot_general3A_33, %convert_element_type3A_5, %dot_general3A_44 {dimension_numbers = #tpu.dot_dimension_numbers<[0], [0], [1], [1], [0, 1, 1, 1], [], []>, precision = #tpu.contract_precision<fp32>, transpose_lhs_hint = false} : vector<1024x8xf32>, vector<1024x64xf32>, vector<8x64xf32> -> vector<8x64xf32>
    %add3A_46 = arith.addf %get3A_43, %dot_general3A_45 : vector<8x64xf32>
    %swap3A_47 = arith.constant 0 : index
    %swap3A_48 = arith.constant 0 : index
    %swap3A_49 = vector.load %arg5[%swap3A_47, %swap3A_48] : memref<8x64xf32, #tpu.memory_space<vmem>>, vector<8x64xf32>
    tpu.vector_store %arg5[%swap3A_47, %swap3A_48], %add3A_46 {strides = array<i32>} : memref<8x64xf32, #tpu.memory_space<vmem>>, vector<8x64xf32>,
    %get3A_50 = arith.constant 0 : index
    %get3A_51 = arith.constant 0 : index
    %get3A_52 = vector.load %arg6[%get3A_50, %get3A_51] : memref<1x64xf32, #tpu.memory_space<vmem>>, vector<1x64xf32>
    %reduce_sum3A = arith.constant dense<0.000000e+00> : vector<64xf32>
    %reduce_sum3A_53 = vector.multi_reduction <add>, %convert_element_type3A_5, %reduce_sum3A [0] : vector<1024x64xf32> to vector<64xf32>
    %broadcast_in_dim3A = vector.shape_cast %reduce_sum3A_53 : vector<64xf32> to vector<1x64xf32>
    %add3A_54 = arith.addf %get3A_52, %broadcast_in_dim3A : vector<1x64xf32>
    %swap3A_55 = arith.constant 0 : index
    %swap3A_56 = arith.constant 0 : index
    %swap3A_57 = vector.load %arg6[%swap3A_55, %swap3A_56] : memref<1x64xf32, #tpu.memory_space<vmem>>, vector<1x64xf32>
    tpu.vector_store %arg6[%swap3A_55, %swap3A_56], %add3A_54 {strides = array<i32>} : memref<1x64xf32, #tpu.memory_space<vmem>>, vector<1x64xf32>,
    %get3A_58 = arith.constant 0 : index
    %get3A_59 = arith.constant 0 : index
    %get3A_60 = vector.load %arg7[%get3A_58, %get3A_59] : memref<1x8xf32, #tpu.memory_space<vmem>>, vector<1x8xf32>
    %reduce_sum3A_61 = arith.constant dense<0.000000e+00> : vector<8xf32>
    %reduce_sum3A_62 = vector.multi_reduction <add>, %dot_general3A_33, %reduce_sum3A_61 [0] : vector<1024x8xf32> to vector<8xf32>
    %broadcast_in_dim3A_63 = vector.shape_cast %reduce_sum3A_62 : vector<8xf32> to vector<1x8xf32>
    %add3A_64 = arith.addf %get3A_60, %broadcast_in_dim3A_63 : vector<1x8xf32>
    %swap3A_65 = arith.constant 0 : index
    %swap3A_66 = arith.constant 0 : index
    %swap3A_67 = vector.load %arg7[%swap3A_65, %swap3A_66] : memref<1x8xf32, #tpu.memory_space<vmem>>, vector<1x8xf32>
    tpu.vector_store %arg7[%swap3A_65, %swap3A_66], %add3A_64 {strides = array<i32>} : memref<1x8xf32, #tpu.memory_space<vmem>>, vector<1x8xf32>,
    %get3A_68 = arith.constant 0 : index
    %get3A_69 = arith.constant 0 : index
    %get3A_70 = vector.load %arg8[%get3A_68, %get3A_69] : memref<1x8xf32, #tpu.memory_space<vmem>>, vector<1x8xf32>
    %mul3A_71 = arith.mulf %dot_general3A_33, %dot_general3A_33 : vector<1024x8xf32>
    %reduce_sum3A_72 = arith.constant dense<0.000000e+00> : vector<8xf32>
    %reduce_sum3A_73 = vector.multi_reduction <add>, %mul3A_71, %reduce_sum3A_72 [0] : vector<1024x8xf32> to vector<8xf32>
    %broadcast_in_dim3A_74 = vector.shape_cast %reduce_sum3A_73 : vector<8xf32> to vector<1x8xf32>
    %add3A_75 = arith.addf %get3A_70, %broadcast_in_dim3A_74 : vector<1x8xf32>
    %swap3A_76 = arith.constant 0 : index
    %swap3A_77 = arith.constant 0 : index
    %swap3A_78 = vector.load %arg8[%swap3A_76, %swap3A_77] : memref<1x8xf32, #tpu.memory_space<vmem>>, vector<1x8xf32>
    tpu.vector_store %arg8[%swap3A_76, %swap3A_77], %add3A_75 {strides = array<i32>} : memref<1x8xf32, #tpu.memory_space<vmem>>, vector<1x8xf32>,
    %eq3A_79 = arith.constant 79 : i32
    %eq3A_80 = arith.cmpi eq, %arg0, %eq3A_79 : i32
    %convert_element_type3A_81 = arith.extui %eq3A_80 : i1 to i32
    %cond3A_82 = arith.constant 0 : i32
    %cond3A_83 = arith.cmpi ne, %convert_element_type3A_81, %cond3A_82 : i32
    scf.if %cond3A_83 {
      %get3A_84 = arith.constant 0 : index
      %get3A_85 = arith.constant 0 : index
      %get3A_86 = vector.load %arg4[%get3A_84, %get3A_85] : memref<64x64xf32, #tpu.memory_space<vmem>>, vector<64x64xf32>
      %get3A_87 = arith.constant 0 : index
      %get3A_88 = arith.constant 0 : index
      %get3A_89 = vector.load %arg5[%get3A_87, %get3A_88] : memref<8x64xf32, #tpu.memory_space<vmem>>, vector<8x64xf32>
      %get3A_90 = arith.constant 0 : index
      %get3A_91 = arith.constant 0 : index
      %get3A_92 = vector.load %arg6[%get3A_90, %get3A_91] : memref<1x64xf32, #tpu.memory_space<vmem>>, vector<1x64xf32>
      %get3A_93 = arith.constant 0 : index
      %get3A_94 = arith.constant 0 : index
      %get3A_95 = vector.load %arg7[%get3A_93, %get3A_94] : memref<1x8xf32, #tpu.memory_space<vmem>>, vector<1x8xf32>
      %get3A_96 = arith.constant 0 : index
      %get3A_97 = arith.constant 0 : index
      %get3A_98 = vector.load %arg8[%get3A_96, %get3A_97] : memref<1x8xf32, #tpu.memory_space<vmem>>, vector<1x8xf32>
      %broadcast_in_dim3A_99 = arith.constant 0.000000e+00 : f32
      %broadcast_in_dim3A_100 = vector.broadcast %broadcast_in_dim3A_99 : f32 to vector<1x512xf32>
      %broadcast_in_dim3A_101 = arith.constant 0.000000e+00 : f32
      %broadcast_in_dim3A_102 = vector.broadcast %broadcast_in_dim3A_101 : f32 to vector<1x512xf32>
      %get3A_103 = arith.constant 0 : index
      %get3A_104 = arith.constant 0 : index
      %get3A_105 = arith.constant 0 : index
      %get3A_106 = vector.load %arg1[%get3A_103, %get3A_104, %get3A_105] : memref<8x8x512xf32, #tpu.memory_space<vmem>>, vector<1x8x512xf32>
      %get3A_107 = vector.shape_cast %get3A_106 : vector<1x8x512xf32> to vector<8x512xf32>
      %convert_element_type3A_108 = arith.truncf %get3A_107 : vector<8x512xf32> to vector<8x512xbf16>
      %convert_element_type3A_109 = arith.extf %convert_element_type3A_108 : vector<8x512xbf16> to vector<8x512xf32>
      %mul3A_110 = arith.mulf %get3A_107, %get3A_107 : vector<8x512xf32>
      %reduce_sum3A_111 = arith.constant dense<0.000000e+00> : vector<512xf32>
      %reduce_sum3A_112 = vector.multi_reduction <add>, %mul3A_110, %reduce_sum3A_111 [0] : vector<8x512xf32> to vector<512xf32>
      %broadcast_in_dim3A_113 = vector.shape_cast %reduce_sum3A_112 : vector<512xf32> to vector<1x512xf32>
      %slice3A = vector.extract_strided_slice %get3A_92 {offsets = [0, 0], sizes = [1, 8], strides = [1, 1]} : vector<1x64xf32> to vector<1x8xf32>
      %slice3A_114 = vector.extract_strided_slice %get3A_89 {offsets = [0, 0], sizes = [1, 8], strides = [1, 1]} : vector<8x64xf32> to vector<1x8xf32>
      %slice3A_115 = vector.extract_strided_slice %get3A_86 {offsets = [0, 0], sizes = [8, 8], strides = [1, 1]} : vector<64x64xf32> to vector<8x8xf32>
      %slice3A_116 = vector.extract_strided_slice %get3A_95 {offsets = [0, 0], sizes = [1, 1], strides = [1, 1]} : vector<1x8xf32> to vector<1x1xf32>
      %slice3A_117 = vector.extract_strided_slice %get3A_98 {offsets = [0, 0], sizes = [1, 1], strides = [1, 1]} : vector<1x8xf32> to vector<1x1xf32>
      %dot_general3A_118 = arith.constant dense<0.000000e+00> : vector<1x512xf32>
      %dot_general3A_119 = tpu.matmul %slice3A, %convert_element_type3A_109, %dot_general3A_118 {dimension_numbers = #tpu.dot_dimension_numbers<[1], [0], [0], [1], [0, 0, 1, 1], [], []>, precision = #tpu.contract_precision<fp32>, transpose_lhs_hint = false} : vector<1x8xf32>, vector<8x512xf32>, vector<1x512xf32> -> vector<1x512xf32>
      %dot_general3A_120 = arith.constant dense<0.000000e+00> : vector<1x512xf32>
      %dot_general3A_121 = tpu.matmul %slice3A_114, %convert_element_type3A_109, %dot_general3A_120 {dimension_numbers = #tpu.dot_dimension_numbers<[1], [0], [0], [1], [0, 0, 1, 1], [], []>, precision = #tpu.contract_precision<fp32>, transpose_lhs_hint = false} : vector<1x8xf32>, vector<8x512xf32>, vector<1x512xf32> -> vector<1x512xf32>
      %dot_general3A_122 = arith.constant dense<0.000000e+00> : vector<8x512xf32>
      %dot_general3A_123 = tpu.matmul %slice3A_115, %convert_element_type3A_109, %dot_general3A_122 {dimension_numbers = #tpu.dot_dimension_numbers<[1], [0], [0], [1], [0, 0, 1, 1], [], []>, precision = #tpu.contract_precision<fp32>, transpose_lhs_hint = false} : vector<8x8xf32>, vector<8x512xf32>, vector<8x512xf32> -> vector<8x512xf32>
      %mul3A_124 = arith.mulf %convert_element_type3A_109, %dot_general3A_123 : vector<8x512xf32>
      %reduce_sum3A_125 = arith.constant dense<0.000000e+00> : vector<512xf32>
      %reduce_sum3A_126 = vector.multi_reduction <add>, %mul3A_124, %reduce_sum3A_125 [0] : vector<8x512xf32> to vector<512xf32>
      %broadcast_in_dim3A_127 = vector.shape_cast %reduce_sum3A_126 : vector<512xf32> to vector<1x512xf32>
      %mul3A_128 = arith.constant 2.000000e+00 : f32
      %mul3A_129 = vector.broadcast %mul3A_128 : f32 to vector<1x512xf32>
      %mul3A_130 = arith.mulf %mul3A_129, %dot_general3A_119 : vector<1x512xf32>
      %mul3A_131 = arith.constant 8.192000e+04 : f32
      %mul3A_132 = vector.broadcast %mul3A_131 : f32 to vector<1x512xf32>
      %mul3A_133 = arith.mulf %mul3A_132, %broadcast_in_dim3A_113 : vector<1x512xf32>
      %sub3A_134 = arith.subf %mul3A_130, %mul3A_133 : vector<1x512xf32>
      %sub3A_135 = vector.broadcast %slice3A_116 : vector<1x1xf32> to vector<1x512xf32>
      %sub3A_136 = arith.subf %sub3A_134, %sub3A_135 : vector<1x512xf32>
      %add3A_137 = arith.addf %broadcast_in_dim3A_100, %sub3A_136 : vector<1x512xf32>
      %mul3A_138 = arith.constant 4.000000e+00 : f32
      %mul3A_139 = vector.broadcast %mul3A_138 : f32 to vector<1x512xf32>
      %mul3A_140 = arith.mulf %mul3A_139, %broadcast_in_dim3A_127 : vector<1x512xf32>
      %add3A_141 = vector.broadcast %slice3A_117 : vector<1x1xf32> to vector<1x512xf32>
      %add3A_142 = arith.addf %add3A_141, %mul3A_140 : vector<1x512xf32>
      %mul3A_143 = arith.constant 8.192000e+04 : f32
      %mul3A_144 = vector.broadcast %mul3A_143 : f32 to vector<1x512xf32>
      %mul3A_145 = arith.mulf %mul3A_144, %broadcast_in_dim3A_113 : vector<1x512xf32>
      %mul3A_146 = arith.mulf %mul3A_145, %broadcast_in_dim3A_113 : vector<1x512xf32>
      %add3A_147 = arith.addf %add3A_142, %mul3A_146 : vector<1x512xf32>
      %mul3A_148 = arith.constant 4.000000e+00 : f32
      %mul3A_149 = vector.broadcast %mul3A_148 : f32 to vector<1x512xf32>
      %mul3A_150 = arith.mulf %mul3A_149, %dot_general3A_121 : vector<1x512xf32>
      %sub3A_151 = arith.subf %add3A_147, %mul3A_150 : vector<1x512xf32>
      %mul3A_152 = arith.constant 2.000000e+00 : f32
      %mul3A_153 = vector.broadcast %mul3A_152 : f32 to vector<1x1xf32>
      %mul3A_154 = arith.mulf %mul3A_153, %slice3A_116 : vector<1x1xf32>
      %mul3A_155 = vector.broadcast %mul3A_154 : vector<1x1xf32> to vector<1x512xf32>
      %mul3A_156 = arith.mulf %mul3A_155, %broadcast_in_dim3A_113 : vector<1x512xf32>
      %add3A_157 = arith.addf %sub3A_151, %mul3A_156 : vector<1x512xf32>
      %mul3A_158 = arith.constant 4.000000e+00 : f32
      %mul3A_159 = vector.broadcast %mul3A_158 : f32 to vector<1x512xf32>
      %mul3A_160 = arith.mulf %mul3A_159, %dot_general3A_119 : vector<1x512xf32>
      %mul3A_161 = arith.mulf %mul3A_160, %broadcast_in_dim3A_113 : vector<1x512xf32>
      %sub3A_162 = arith.subf %add3A_157, %mul3A_161 : vector<1x512xf32>
      %add3A_163 = arith.addf %broadcast_in_dim3A_102, %sub3A_162 : vector<1x512xf32>
      %get3A_164 = arith.constant 1 : index
      %get3A_165 = arith.constant 0 : index
      %get3A_166 = arith.constant 0 : index
      %get3A_167 = vector.load %arg1[%get3A_164, %get3A_165, %get3A_166] : memref<8x8x512xf32, #tpu.memory_space<vmem>>, vector<1x8x512xf32>
      %get3A_168 = vector.shape_cast %get3A_167 : vector<1x8x512xf32> to vector<8x512xf32>
      %convert_element_type3A_169 = arith.truncf %get3A_168 : vector<8x512xf32> to vector<8x512xbf16>
      %convert_element_type3A_170 = arith.extf %convert_element_type3A_169 : vector<8x512xbf16> to vector<8x512xf32>
      %mul3A_171 = arith.mulf %get3A_168, %get3A_168 : vector<8x512xf32>
      %reduce_sum3A_172 = arith.constant dense<0.000000e+00> : vector<512xf32>
      %reduce_sum3A_173 = vector.multi_reduction <add>, %mul3A_171, %reduce_sum3A_172 [0] : vector<8x512xf32> to vector<512xf32>
      %broadcast_in_dim3A_174 = vector.shape_cast %reduce_sum3A_173 : vector<512xf32> to vector<1x512xf32>
      %slice3A_175 = vector.extract_strided_slice %get3A_92 {offsets = [0, 8], sizes = [1, 8], strides = [1, 1]} : vector<1x64xf32> to vector<1x8xf32>
      %slice3A_176 = vector.extract_strided_slice %get3A_89 {offsets = [1, 8], sizes = [1, 8], strides = [1, 1]} : vector<8x64xf32> to vector<1x8xf32>
      %slice3A_177 = vector.extract_strided_slice %get3A_86 {offsets = [8, 8], sizes = [8, 8], strides = [1, 1]} : vector<64x64xf32> to vector<8x8xf32>
      %slice3A_178 = vector.extract_strided_slice %get3A_95 {offsets = [0, 1], sizes = [1, 1], strides = [1, 1]} : vector<1x8xf32> to vector<1x1xf32>
      %slice3A_179 = vector.extract_strided_slice %get3A_98 {offsets = [0, 1], sizes = [1, 1], strides = [1, 1]} : vector<1x8xf32> to vector<1x1xf32>
      %dot_general3A_180 = arith.constant dense<0.000000e+00> : vector<1x512xf32>
      %dot_general3A_181 = tpu.matmul %slice3A_175, %convert_element_type3A_170, %dot_general3A_180 {dimension_numbers = #tpu.dot_dimension_numbers<[1], [0], [0], [1], [0, 0, 1, 1], [], []>, precision = #tpu.contract_precision<fp32>, transpose_lhs_hint = false} : vector<1x8xf32>, vector<8x512xf32>, vector<1x512xf32> -> vector<1x512xf32>
      %dot_general3A_182 = arith.constant dense<0.000000e+00> : vector<1x512xf32>
      %dot_general3A_183 = tpu.matmul %slice3A_176, %convert_element_type3A_170, %dot_general3A_182 {dimension_numbers = #tpu.dot_dimension_numbers<[1], [0], [0], [1], [0, 0, 1, 1], [], []>, precision = #tpu.contract_precision<fp32>, transpose_lhs_hint = false} : vector<1x8xf32>, vector<8x512xf32>, vector<1x512xf32> -> vector<1x512xf32>
      %dot_general3A_184 = arith.constant dense<0.000000e+00> : vector<8x512xf32>
      %dot_general3A_185 = tpu.matmul %slice3A_177, %convert_element_type3A_170, %dot_general3A_184 {dimension_numbers = #tpu.dot_dimension_numbers<[1], [0], [0], [1], [0, 0, 1, 1], [], []>, precision = #tpu.contract_precision<fp32>, transpose_lhs_hint = false} : vector<8x8xf32>, vector<8x512xf32>, vector<8x512xf32> -> vector<8x512xf32>
      %mul3A_186 = arith.mulf %convert_element_type3A_170, %dot_general3A_185 : vector<8x512xf32>
      %reduce_sum3A_187 = arith.constant dense<0.000000e+00> : vector<512xf32>
      %reduce_sum3A_188 = vector.multi_reduction <add>, %mul3A_186, %reduce_sum3A_187 [0] : vector<8x512xf32> to vector<512xf32>
      %broadcast_in_dim3A_189 = vector.shape_cast %reduce_sum3A_188 : vector<512xf32> to vector<1x512xf32>
      %mul3A_190 = arith.constant 2.000000e+00 : f32
      %mul3A_191 = vector.broadcast %mul3A_190 : f32 to vector<1x512xf32>
      %mul3A_192 = arith.mulf %mul3A_191, %dot_general3A_181 : vector<1x512xf32>
      %mul3A_193 = arith.constant 8.192000e+04 : f32
      %mul3A_194 = vector.broadcast %mul3A_193 : f32 to vector<1x512xf32>
      %mul3A_195 = arith.mulf %mul3A_194, %broadcast_in_dim3A_174 : vector<1x512xf32>
      %sub3A_196 = arith.subf %mul3A_192, %mul3A_195 : vector<1x512xf32>
      %sub3A_197 = vector.broadcast %slice3A_178 : vector<1x1xf32> to vector<1x512xf32>
      %sub3A_198 = arith.subf %sub3A_196, %sub3A_197 : vector<1x512xf32>
      %add3A_199 = arith.addf %add3A_137, %sub3A_198 : vector<1x512xf32>
      %mul3A_200 = arith.constant 4.000000e+00 : f32
      %mul3A_201 = vector.broadcast %mul3A_200 : f32 to vector<1x512xf32>
      %mul3A_202 = arith.mulf %mul3A_201, %broadcast_in_dim3A_189 : vector<1x512xf32>
      %add3A_203 = vector.broadcast %slice3A_179 : vector<1x1xf32> to vector<1x512xf32>
      %add3A_204 = arith.addf %add3A_203, %mul3A_202 : vector<1x512xf32>
      %mul3A_205 = arith.constant 8.192000e+04 : f32
      %mul3A_206 = vector.broadcast %mul3A_205 : f32 to vector<1x512xf32>
      %mul3A_207 = arith.mulf %mul3A_206, %broadcast_in_dim3A_174 : vector<1x512xf32>
      %mul3A_208 = arith.mulf %mul3A_207, %broadcast_in_dim3A_174 : vector<1x512xf32>
      %add3A_209 = arith.addf %add3A_204, %mul3A_208 : vector<1x512xf32>
      %mul3A_210 = arith.constant 4.000000e+00 : f32
      %mul3A_211 = vector.broadcast %mul3A_210 : f32 to vector<1x512xf32>
      %mul3A_212 = arith.mulf %mul3A_211, %dot_general3A_183 : vector<1x512xf32>
      %sub3A_213 = arith.subf %add3A_209, %mul3A_212 : vector<1x512xf32>
      %mul3A_214 = arith.constant 2.000000e+00 : f32
      %mul3A_215 = vector.broadcast %mul3A_214 : f32 to vector<1x1xf32>
      %mul3A_216 = arith.mulf %mul3A_215, %slice3A_178 : vector<1x1xf32>
      %mul3A_217 = vector.broadcast %mul3A_216 : vector<1x1xf32> to vector<1x512xf32>
      %mul3A_218 = arith.mulf %mul3A_217, %broadcast_in_dim3A_174 : vector<1x512xf32>
      %add3A_219 = arith.addf %sub3A_213, %mul3A_218 : vector<1x512xf32>
      %mul3A_220 = arith.constant 4.000000e+00 : f32
      %mul3A_221 = vector.broadcast %mul3A_220 : f32 to vector<1x512xf32>
      %mul3A_222 = arith.mulf %mul3A_221, %dot_general3A_181 : vector<1x512xf32>
      %mul3A_223 = arith.mulf %mul3A_222, %broadcast_in_dim3A_174 : vector<1x512xf32>
      %sub3A_224 = arith.subf %add3A_219, %mul3A_223 : vector<1x512xf32>
      %add3A_225 = arith.addf %add3A_163, %sub3A_224 : vector<1x512xf32>
      %get3A_226 = arith.constant 2 : index
      %get3A_227 = arith.constant 0 : index
      %get3A_228 = arith.constant 0 : index
      %get3A_229 = vector.load %arg1[%get3A_226, %get3A_227, %get3A_228] : memref<8x8x512xf32, #tpu.memory_space<vmem>>, vector<1x8x512xf32>
      %get3A_230 = vector.shape_cast %get3A_229 : vector<1x8x512xf32> to vector<8x512xf32>
      %convert_element_type3A_231 = arith.truncf %get3A_230 : vector<8x512xf32> to vector<8x512xbf16>
      %convert_element_type3A_232 = arith.extf %convert_element_type3A_231 : vector<8x512xbf16> to vector<8x512xf32>
      %mul3A_233 = arith.mulf %get3A_230, %get3A_230 : vector<8x512xf32>
      %reduce_sum3A_234 = arith.constant dense<0.000000e+00> : vector<512xf32>
      %reduce_sum3A_235 = vector.multi_reduction <add>, %mul3A_233, %reduce_sum3A_234 [0] : vector<8x512xf32> to vector<512xf32>
      %broadcast_in_dim3A_236 = vector.shape_cast %reduce_sum3A_235 : vector<512xf32> to vector<1x512xf32>
      %slice3A_237 = vector.extract_strided_slice %get3A_92 {offsets = [0, 16], sizes = [1, 8], strides = [1, 1]} : vector<1x64xf32> to vector<1x8xf32>
      %slice3A_238 = vector.extract_strided_slice %get3A_89 {offsets = [2, 16], sizes = [1, 8], strides = [1, 1]} : vector<8x64xf32> to vector<1x8xf32>
      %slice3A_239 = vector.extract_strided_slice %get3A_86 {offsets = [16, 16], sizes = [8, 8], strides = [1, 1]} : vector<64x64xf32> to vector<8x8xf32>
      %slice3A_240 = vector.extract_strided_slice %get3A_95 {offsets = [0, 2], sizes = [1, 1], strides = [1, 1]} : vector<1x8xf32> to vector<1x1xf32>
      %slice3A_241 = vector.extract_strided_slice %get3A_98 {offsets = [0, 2], sizes = [1, 1], strides = [1, 1]} : vector<1x8xf32> to vector<1x1xf32>
      %dot_general3A_242 = arith.constant dense<0.000000e+00> : vector<1x512xf32>
      %dot_general3A_243 = tpu.matmul %slice3A_237, %convert_element_type3A_232, %dot_general3A_242 {dimension_numbers = #tpu.dot_dimension_numbers<[1], [0], [0], [1], [0, 0, 1, 1], [], []>, precision = #tpu.contract_precision<fp32>, transpose_lhs_hint = false} : vector<1x8xf32>, vector<8x512xf32>, vector<1x512xf32> -> vector<1x512xf32>
      %dot_general3A_244 = arith.constant dense<0.000000e+00> : vector<1x512xf32>
      %dot_general3A_245 = tpu.matmul %slice3A_238, %convert_element_type3A_232, %dot_general3A_244 {dimension_numbers = #tpu.dot_dimension_numbers<[1], [0], [0], [1], [0, 0, 1, 1], [], []>, precision = #tpu.contract_precision<fp32>, transpose_lhs_hint = false} : vector<1x8xf32>, vector<8x512xf32>, vector<1x512xf32> -> vector<1x512xf32>
      %dot_general3A_246 = arith.constant dense<0.000000e+00> : vector<8x512xf32>
      %dot_general3A_247 = tpu.matmul %slice3A_239, %convert_element_type3A_232, %dot_general3A_246 {dimension_numbers = #tpu.dot_dimension_numbers<[1], [0], [0], [1], [0, 0, 1, 1], [], []>, precision = #tpu.contract_precision<fp32>, transpose_lhs_hint = false} : vector<8x8xf32>, vector<8x512xf32>, vector<8x512xf32> -> vector<8x512xf32>
      %mul3A_248 = arith.mulf %convert_element_type3A_232, %dot_general3A_247 : vector<8x512xf32>
      %reduce_sum3A_249 = arith.constant dense<0.000000e+00> : vector<512xf32>
      %reduce_sum3A_250 = vector.multi_reduction <add>, %mul3A_248, %reduce_sum3A_249 [0] : vector<8x512xf32> to vector<512xf32>
      %broadcast_in_dim3A_251 = vector.shape_cast %reduce_sum3A_250 : vector<512xf32> to vector<1x512xf32>
      %mul3A_252 = arith.constant 2.000000e+00 : f32
      %mul3A_253 = vector.broadcast %mul3A_252 : f32 to vector<1x512xf32>
      %mul3A_254 = arith.mulf %mul3A_253, %dot_general3A_243 : vector<1x512xf32>
      %mul3A_255 = arith.constant 8.192000e+04 : f32
      %mul3A_256 = vector.broadcast %mul3A_255 : f32 to vector<1x512xf32>
      %mul3A_257 = arith.mulf %mul3A_256, %broadcast_in_dim3A_236 : vector<1x512xf32>
      %sub3A_258 = arith.subf %mul3A_254, %mul3A_257 : vector<1x512xf32>
      %sub3A_259 = vector.broadcast %slice3A_240 : vector<1x1xf32> to vector<1x512xf32>
      %sub3A_260 = arith.subf %sub3A_258, %sub3A_259 : vector<1x512xf32>
      %add3A_261 = arith.addf %add3A_199, %sub3A_260 : vector<1x512xf32>
      %mul3A_262 = arith.constant 4.000000e+00 : f32
      %mul3A_263 = vector.broadcast %mul3A_262 : f32 to vector<1x512xf32>
      %mul3A_264 = arith.mulf %mul3A_263, %broadcast_in_dim3A_251 : vector<1x512xf32>
      %add3A_265 = vector.broadcast %slice3A_241 : vector<1x1xf32> to vector<1x512xf32>
      %add3A_266 = arith.addf %add3A_265, %mul3A_264 : vector<1x512xf32>
      %mul3A_267 = arith.constant 8.192000e+04 : f32
      %mul3A_268 = vector.broadcast %mul3A_267 : f32 to vector<1x512xf32>
      %mul3A_269 = arith.mulf %mul3A_268, %broadcast_in_dim3A_236 : vector<1x512xf32>
      %mul3A_270 = arith.mulf %mul3A_269, %broadcast_in_dim3A_236 : vector<1x512xf32>
      %add3A_271 = arith.addf %add3A_266, %mul3A_270 : vector<1x512xf32>
      %mul3A_272 = arith.constant 4.000000e+00 : f32
      %mul3A_273 = vector.broadcast %mul3A_272 : f32 to vector<1x512xf32>
      %mul3A_274 = arith.mulf %mul3A_273, %dot_general3A_245 : vector<1x512xf32>
      %sub3A_275 = arith.subf %add3A_271, %mul3A_274 : vector<1x512xf32>
      %mul3A_276 = arith.constant 2.000000e+00 : f32
      %mul3A_277 = vector.broadcast %mul3A_276 : f32 to vector<1x1xf32>
      %mul3A_278 = arith.mulf %mul3A_277, %slice3A_240 : vector<1x1xf32>
      %mul3A_279 = vector.broadcast %mul3A_278 : vector<1x1xf32> to vector<1x512xf32>
      %mul3A_280 = arith.mulf %mul3A_279, %broadcast_in_dim3A_236 : vector<1x512xf32>
      %add3A_281 = arith.addf %sub3A_275, %mul3A_280 : vector<1x512xf32>
      %mul3A_282 = arith.constant 4.000000e+00 : f32
      %mul3A_283 = vector.broadcast %mul3A_282 : f32 to vector<1x512xf32>
      %mul3A_284 = arith.mulf %mul3A_283, %dot_general3A_243 : vector<1x512xf32>
      %mul3A_285 = arith.mulf %mul3A_284, %broadcast_in_dim3A_236 : vector<1x512xf32>
      %sub3A_286 = arith.subf %add3A_281, %mul3A_285 : vector<1x512xf32>
      %add3A_287 = arith.addf %add3A_225, %sub3A_286 : vector<1x512xf32>
      %get3A_288 = arith.constant 3 : index
      %get3A_289 = arith.constant 0 : index
      %get3A_290 = arith.constant 0 : index
      %get3A_291 = vector.load %arg1[%get3A_288, %get3A_289, %get3A_290] : memref<8x8x512xf32, #tpu.memory_space<vmem>>, vector<1x8x512xf32>
      %get3A_292 = vector.shape_cast %get3A_291 : vector<1x8x512xf32> to vector<8x512xf32>
      %convert_element_type3A_293 = arith.truncf %get3A_292 : vector<8x512xf32> to vector<8x512xbf16>
      %convert_element_type3A_294 = arith.extf %convert_element_type3A_293 : vector<8x512xbf16> to vector<8x512xf32>
      %mul3A_295 = arith.mulf %get3A_292, %get3A_292 : vector<8x512xf32>
      %reduce_sum3A_296 = arith.constant dense<0.000000e+00> : vector<512xf32>
      %reduce_sum3A_297 = vector.multi_reduction <add>, %mul3A_295, %reduce_sum3A_296 [0] : vector<8x512xf32> to vector<512xf32>
      %broadcast_in_dim3A_298 = vector.shape_cast %reduce_sum3A_297 : vector<512xf32> to vector<1x512xf32>
      %slice3A_299 = vector.extract_strided_slice %get3A_92 {offsets = [0, 24], sizes = [1, 8], strides = [1, 1]} : vector<1x64xf32> to vector<1x8xf32>
      %slice3A_300 = vector.extract_strided_slice %get3A_89 {offsets = [3, 24], sizes = [1, 8], strides = [1, 1]} : vector<8x64xf32> to vector<1x8xf32>
      %slice3A_301 = vector.extract_strided_slice %get3A_86 {offsets = [24, 24], sizes = [8, 8], strides = [1, 1]} : vector<64x64xf32> to vector<8x8xf32>
      %slice3A_302 = vector.extract_strided_slice %get3A_95 {offsets = [0, 3], sizes = [1, 1], strides = [1, 1]} : vector<1x8xf32> to vector<1x1xf32>
      %slice3A_303 = vector.extract_strided_slice %get3A_98 {offsets = [0, 3], sizes = [1, 1], strides = [1, 1]} : vector<1x8xf32> to vector<1x1xf32>
      %dot_general3A_304 = arith.constant dense<0.000000e+00> : vector<1x512xf32>
      %dot_general3A_305 = tpu.matmul %slice3A_299, %convert_element_type3A_294, %dot_general3A_304 {dimension_numbers = #tpu.dot_dimension_numbers<[1], [0], [0], [1], [0, 0, 1, 1], [], []>, precision = #tpu.contract_precision<fp32>, transpose_lhs_hint = false} : vector<1x8xf32>, vector<8x512xf32>, vector<1x512xf32> -> vector<1x512xf32>
      %dot_general3A_306 = arith.constant dense<0.000000e+00> : vector<1x512xf32>
      %dot_general3A_307 = tpu.matmul %slice3A_300, %convert_element_type3A_294, %dot_general3A_306 {dimension_numbers = #tpu.dot_dimension_numbers<[1], [0], [0], [1], [0, 0, 1, 1], [], []>, precision = #tpu.contract_precision<fp32>, transpose_lhs_hint = false} : vector<1x8xf32>, vector<8x512xf32>, vector<1x512xf32> -> vector<1x512xf32>
      %dot_general3A_308 = arith.constant dense<0.000000e+00> : vector<8x512xf32>
      %dot_general3A_309 = tpu.matmul %slice3A_301, %convert_element_type3A_294, %dot_general3A_308 {dimension_numbers = #tpu.dot_dimension_numbers<[1], [0], [0], [1], [0, 0, 1, 1], [], []>, precision = #tpu.contract_precision<fp32>, transpose_lhs_hint = false} : vector<8x8xf32>, vector<8x512xf32>, vector<8x512xf32> -> vector<8x512xf32>
      %mul3A_310 = arith.mulf %convert_element_type3A_294, %dot_general3A_309 : vector<8x512xf32>
      %reduce_sum3A_311 = arith.constant dense<0.000000e+00> : vector<512xf32>
      %reduce_sum3A_312 = vector.multi_reduction <add>, %mul3A_310, %reduce_sum3A_311 [0] : vector<8x512xf32> to vector<512xf32>
      %broadcast_in_dim3A_313 = vector.shape_cast %reduce_sum3A_312 : vector<512xf32> to vector<1x512xf32>
      %mul3A_314 = arith.constant 2.000000e+00 : f32
      %mul3A_315 = vector.broadcast %mul3A_314 : f32 to vector<1x512xf32>
      %mul3A_316 = arith.mulf %mul3A_315, %dot_general3A_305 : vector<1x512xf32>
      %mul3A_317 = arith.constant 8.192000e+04 : f32
      %mul3A_318 = vector.broadcast %mul3A_317 : f32 to vector<1x512xf32>
      %mul3A_319 = arith.mulf %mul3A_318, %broadcast_in_dim3A_298 : vector<1x512xf32>
      %sub3A_320 = arith.subf %mul3A_316, %mul3A_319 : vector<1x512xf32>
      %sub3A_321 = vector.broadcast %slice3A_302 : vector<1x1xf32> to vector<1x512xf32>
      %sub3A_322 = arith.subf %sub3A_320, %sub3A_321 : vector<1x512xf32>
      %add3A_323 = arith.addf %add3A_261, %sub3A_322 : vector<1x512xf32>
      %mul3A_324 = arith.constant 4.000000e+00 : f32
      %mul3A_325 = vector.broadcast %mul3A_324 : f32 to vector<1x512xf32>
      %mul3A_326 = arith.mulf %mul3A_325, %broadcast_in_dim3A_313 : vector<1x512xf32>
      %add3A_327 = vector.broadcast %slice3A_303 : vector<1x1xf32> to vector<1x512xf32>
      %add3A_328 = arith.addf %add3A_327, %mul3A_326 : vector<1x512xf32>
      %mul3A_329 = arith.constant 8.192000e+04 : f32
      %mul3A_330 = vector.broadcast %mul3A_329 : f32 to vector<1x512xf32>
      %mul3A_331 = arith.mulf %mul3A_330, %broadcast_in_dim3A_298 : vector<1x512xf32>
      %mul3A_332 = arith.mulf %mul3A_331, %broadcast_in_dim3A_298 : vector<1x512xf32>
      %add3A_333 = arith.addf %add3A_328, %mul3A_332 : vector<1x512xf32>
      %mul3A_334 = arith.constant 4.000000e+00 : f32
      %mul3A_335 = vector.broadcast %mul3A_334 : f32 to vector<1x512xf32>
      %mul3A_336 = arith.mulf %mul3A_335, %dot_general3A_307 : vector<1x512xf32>
      %sub3A_337 = arith.subf %add3A_333, %mul3A_336 : vector<1x512xf32>
      %mul3A_338 = arith.constant 2.000000e+00 : f32
      %mul3A_339 = vector.broadcast %mul3A_338 : f32 to vector<1x1xf32>
      %mul3A_340 = arith.mulf %mul3A_339, %slice3A_302 : vector<1x1xf32>
      %mul3A_341 = vector.broadcast %mul3A_340 : vector<1x1xf32> to vector<1x512xf32>
      %mul3A_342 = arith.mulf %mul3A_341, %broadcast_in_dim3A_298 : vector<1x512xf32>
      %add3A_343 = arith.addf %sub3A_337, %mul3A_342 : vector<1x512xf32>
      %mul3A_344 = arith.constant 4.000000e+00 : f32
      %mul3A_345 = vector.broadcast %mul3A_344 : f32 to vector<1x512xf32>
      %mul3A_346 = arith.mulf %mul3A_345, %dot_general3A_305 : vector<1x512xf32>
      %mul3A_347 = arith.mulf %mul3A_346, %broadcast_in_dim3A_298 : vector<1x512xf32>
      %sub3A_348 = arith.subf %add3A_343, %mul3A_347 : vector<1x512xf32>
      %add3A_349 = arith.addf %add3A_287, %sub3A_348 : vector<1x512xf32>
      %get3A_350 = arith.constant 4 : index
      %get3A_351 = arith.constant 0 : index
      %get3A_352 = arith.constant 0 : index
      %get3A_353 = vector.load %arg1[%get3A_350, %get3A_351, %get3A_352] : memref<8x8x512xf32, #tpu.memory_space<vmem>>, vector<1x8x512xf32>
      %get3A_354 = vector.shape_cast %get3A_353 : vector<1x8x512xf32> to vector<8x512xf32>
      %convert_element_type3A_355 = arith.truncf %get3A_354 : vector<8x512xf32> to vector<8x512xbf16>
      %convert_element_type3A_356 = arith.extf %convert_element_type3A_355 : vector<8x512xbf16> to vector<8x512xf32>
      %mul3A_357 = arith.mulf %get3A_354, %get3A_354 : vector<8x512xf32>
      %reduce_sum3A_358 = arith.constant dense<0.000000e+00> : vector<512xf32>
      %reduce_sum3A_359 = vector.multi_reduction <add>, %mul3A_357, %reduce_sum3A_358 [0] : vector<8x512xf32> to vector<512xf32>
      %broadcast_in_dim3A_360 = vector.shape_cast %reduce_sum3A_359 : vector<512xf32> to vector<1x512xf32>
      %slice3A_361 = vector.extract_strided_slice %get3A_92 {offsets = [0, 32], sizes = [1, 8], strides = [1, 1]} : vector<1x64xf32> to vector<1x8xf32>
      %slice3A_362 = vector.extract_strided_slice %get3A_89 {offsets = [4, 32], sizes = [1, 8], strides = [1, 1]} : vector<8x64xf32> to vector<1x8xf32>
      %slice3A_363 = vector.extract_strided_slice %get3A_86 {offsets = [32, 32], sizes = [8, 8], strides = [1, 1]} : vector<64x64xf32> to vector<8x8xf32>
      %slice3A_364 = vector.extract_strided_slice %get3A_95 {offsets = [0, 4], sizes = [1, 1], strides = [1, 1]} : vector<1x8xf32> to vector<1x1xf32>
      %slice3A_365 = vector.extract_strided_slice %get3A_98 {offsets = [0, 4], sizes = [1, 1], strides = [1, 1]} : vector<1x8xf32> to vector<1x1xf32>
      %dot_general3A_366 = arith.constant dense<0.000000e+00> : vector<1x512xf32>
      %dot_general3A_367 = tpu.matmul %slice3A_361, %convert_element_type3A_356, %dot_general3A_366 {dimension_numbers = #tpu.dot_dimension_numbers<[1], [0], [0], [1], [0, 0, 1, 1], [], []>, precision = #tpu.contract_precision<fp32>, transpose_lhs_hint = false} : vector<1x8xf32>, vector<8x512xf32>, vector<1x512xf32> -> vector<1x512xf32>
      %dot_general3A_368 = arith.constant dense<0.000000e+00> : vector<1x512xf32>
      %dot_general3A_369 = tpu.matmul %slice3A_362, %convert_element_type3A_356, %dot_general3A_368 {dimension_numbers = #tpu.dot_dimension_numbers<[1], [0], [0], [1], [0, 0, 1, 1], [], []>, precision = #tpu.contract_precision<fp32>, transpose_lhs_hint = false} : vector<1x8xf32>, vector<8x512xf32>, vector<1x512xf32> -> vector<1x512xf32>
      %dot_general3A_370 = arith.constant dense<0.000000e+00> : vector<8x512xf32>
      %dot_general3A_371 = tpu.matmul %slice3A_363, %convert_element_type3A_356, %dot_general3A_370 {dimension_numbers = #tpu.dot_dimension_numbers<[1], [0], [0], [1], [0, 0, 1, 1], [], []>, precision = #tpu.contract_precision<fp32>, transpose_lhs_hint = false} : vector<8x8xf32>, vector<8x512xf32>, vector<8x512xf32> -> vector<8x512xf32>
      %mul3A_372 = arith.mulf %convert_element_type3A_356, %dot_general3A_371 : vector<8x512xf32>
      %reduce_sum3A_373 = arith.constant dense<0.000000e+00> : vector<512xf32>
      %reduce_sum3A_374 = vector.multi_reduction <add>, %mul3A_372, %reduce_sum3A_373 [0] : vector<8x512xf32> to vector<512xf32>
      %broadcast_in_dim3A_375 = vector.shape_cast %reduce_sum3A_374 : vector<512xf32> to vector<1x512xf32>
      %mul3A_376 = arith.constant 2.000000e+00 : f32
      %mul3A_377 = vector.broadcast %mul3A_376 : f32 to vector<1x512xf32>
      %mul3A_378 = arith.mulf %mul3A_377, %dot_general3A_367 : vector<1x512xf32>
      %mul3A_379 = arith.constant 8.192000e+04 : f32
      %mul3A_380 = vector.broadcast %mul3A_379 : f32 to vector<1x512xf32>
      %mul3A_381 = arith.mulf %mul3A_380, %broadcast_in_dim3A_360 : vector<1x512xf32>
      %sub3A_382 = arith.subf %mul3A_378, %mul3A_381 : vector<1x512xf32>
      %sub3A_383 = vector.broadcast %slice3A_364 : vector<1x1xf32> to vector<1x512xf32>
      %sub3A_384 = arith.subf %sub3A_382, %sub3A_383 : vector<1x512xf32>
      %add3A_385 = arith.addf %add3A_323, %sub3A_384 : vector<1x512xf32>
      %mul3A_386 = arith.constant 4.000000e+00 : f32
      %mul3A_387 = vector.broadcast %mul3A_386 : f32 to vector<1x512xf32>
      %mul3A_388 = arith.mulf %mul3A_387, %broadcast_in_dim3A_375 : vector<1x512xf32>
      %add3A_389 = vector.broadcast %slice3A_365 : vector<1x1xf32> to vector<1x512xf32>
      %add3A_390 = arith.addf %add3A_389, %mul3A_388 : vector<1x512xf32>
      %mul3A_391 = arith.constant 8.192000e+04 : f32
      %mul3A_392 = vector.broadcast %mul3A_391 : f32 to vector<1x512xf32>
      %mul3A_393 = arith.mulf %mul3A_392, %broadcast_in_dim3A_360 : vector<1x512xf32>
      %mul3A_394 = arith.mulf %mul3A_393, %broadcast_in_dim3A_360 : vector<1x512xf32>
      %add3A_395 = arith.addf %add3A_390, %mul3A_394 : vector<1x512xf32>
      %mul3A_396 = arith.constant 4.000000e+00 : f32
      %mul3A_397 = vector.broadcast %mul3A_396 : f32 to vector<1x512xf32>
      %mul3A_398 = arith.mulf %mul3A_397, %dot_general3A_369 : vector<1x512xf32>
      %sub3A_399 = arith.subf %add3A_395, %mul3A_398 : vector<1x512xf32>
      %mul3A_400 = arith.constant 2.000000e+00 : f32
      %mul3A_401 = vector.broadcast %mul3A_400 : f32 to vector<1x1xf32>
      %mul3A_402 = arith.mulf %mul3A_401, %slice3A_364 : vector<1x1xf32>
      %mul3A_403 = vector.broadcast %mul3A_402 : vector<1x1xf32> to vector<1x512xf32>
      %mul3A_404 = arith.mulf %mul3A_403, %broadcast_in_dim3A_360 : vector<1x512xf32>
      %add3A_405 = arith.addf %sub3A_399, %mul3A_404 : vector<1x512xf32>
      %mul3A_406 = arith.constant 4.000000e+00 : f32
      %mul3A_407 = vector.broadcast %mul3A_406 : f32 to vector<1x512xf32>
      %mul3A_408 = arith.mulf %mul3A_407, %dot_general3A_367 : vector<1x512xf32>
      %mul3A_409 = arith.mulf %mul3A_408, %broadcast_in_dim3A_360 : vector<1x512xf32>
      %sub3A_410 = arith.subf %add3A_405, %mul3A_409 : vector<1x512xf32>
      %add3A_411 = arith.addf %add3A_349, %sub3A_410 : vector<1x512xf32>
      %get3A_412 = arith.constant 5 : index
      %get3A_413 = arith.constant 0 : index
      %get3A_414 = arith.constant 0 : index
      %get3A_415 = vector.load %arg1[%get3A_412, %get3A_413, %get3A_414] : memref<8x8x512xf32, #tpu.memory_space<vmem>>, vector<1x8x512xf32>
      %get3A_416 = vector.shape_cast %get3A_415 : vector<1x8x512xf32> to vector<8x512xf32>
      %convert_element_type3A_417 = arith.truncf %get3A_416 : vector<8x512xf32> to vector<8x512xbf16>
      %convert_element_type3A_418 = arith.extf %convert_element_type3A_417 : vector<8x512xbf16> to vector<8x512xf32>
      %mul3A_419 = arith.mulf %get3A_416, %get3A_416 : vector<8x512xf32>
      %reduce_sum3A_420 = arith.constant dense<0.000000e+00> : vector<512xf32>
      %reduce_sum3A_421 = vector.multi_reduction <add>, %mul3A_419, %reduce_sum3A_420 [0] : vector<8x512xf32> to vector<512xf32>
      %broadcast_in_dim3A_422 = vector.shape_cast %reduce_sum3A_421 : vector<512xf32> to vector<1x512xf32>
      %slice3A_423 = vector.extract_strided_slice %get3A_92 {offsets = [0, 40], sizes = [1, 8], strides = [1, 1]} : vector<1x64xf32> to vector<1x8xf32>
      %slice3A_424 = vector.extract_strided_slice %get3A_89 {offsets = [5, 40], sizes = [1, 8], strides = [1, 1]} : vector<8x64xf32> to vector<1x8xf32>
      %slice3A_425 = vector.extract_strided_slice %get3A_86 {offsets = [40, 40], sizes = [8, 8], strides = [1, 1]} : vector<64x64xf32> to vector<8x8xf32>
      %slice3A_426 = vector.extract_strided_slice %get3A_95 {offsets = [0, 5], sizes = [1, 1], strides = [1, 1]} : vector<1x8xf32> to vector<1x1xf32>
      %slice3A_427 = vector.extract_strided_slice %get3A_98 {offsets = [0, 5], sizes = [1, 1], strides = [1, 1]} : vector<1x8xf32> to vector<1x1xf32>
      %dot_general3A_428 = arith.constant dense<0.000000e+00> : vector<1x512xf32>
      %dot_general3A_429 = tpu.matmul %slice3A_423, %convert_element_type3A_418, %dot_general3A_428 {dimension_numbers = #tpu.dot_dimension_numbers<[1], [0], [0], [1], [0, 0, 1, 1], [], []>, precision = #tpu.contract_precision<fp32>, transpose_lhs_hint = false} : vector<1x8xf32>, vector<8x512xf32>, vector<1x512xf32> -> vector<1x512xf32>
      %dot_general3A_430 = arith.constant dense<0.000000e+00> : vector<1x512xf32>
      %dot_general3A_431 = tpu.matmul %slice3A_424, %convert_element_type3A_418, %dot_general3A_430 {dimension_numbers = #tpu.dot_dimension_numbers<[1], [0], [0], [1], [0, 0, 1, 1], [], []>, precision = #tpu.contract_precision<fp32>, transpose_lhs_hint = false} : vector<1x8xf32>, vector<8x512xf32>, vector<1x512xf32> -> vector<1x512xf32>
      %dot_general3A_432 = arith.constant dense<0.000000e+00> : vector<8x512xf32>
      %dot_general3A_433 = tpu.matmul %slice3A_425, %convert_element_type3A_418, %dot_general3A_432 {dimension_numbers = #tpu.dot_dimension_numbers<[1], [0], [0], [1], [0, 0, 1, 1], [], []>, precision = #tpu.contract_precision<fp32>, transpose_lhs_hint = false} : vector<8x8xf32>, vector<8x512xf32>, vector<8x512xf32> -> vector<8x512xf32>
      %mul3A_434 = arith.mulf %convert_element_type3A_418, %dot_general3A_433 : vector<8x512xf32>
      %reduce_sum3A_435 = arith.constant dense<0.000000e+00> : vector<512xf32>
      %reduce_sum3A_436 = vector.multi_reduction <add>, %mul3A_434, %reduce_sum3A_435 [0] : vector<8x512xf32> to vector<512xf32>
      %broadcast_in_dim3A_437 = vector.shape_cast %reduce_sum3A_436 : vector<512xf32> to vector<1x512xf32>
      %mul3A_438 = arith.constant 2.000000e+00 : f32
      %mul3A_439 = vector.broadcast %mul3A_438 : f32 to vector<1x512xf32>
      %mul3A_440 = arith.mulf %mul3A_439, %dot_general3A_429 : vector<1x512xf32>
      %mul3A_441 = arith.constant 8.192000e+04 : f32
      %mul3A_442 = vector.broadcast %mul3A_441 : f32 to vector<1x512xf32>
      %mul3A_443 = arith.mulf %mul3A_442, %broadcast_in_dim3A_422 : vector<1x512xf32>
      %sub3A_444 = arith.subf %mul3A_440, %mul3A_443 : vector<1x512xf32>
      %sub3A_445 = vector.broadcast %slice3A_426 : vector<1x1xf32> to vector<1x512xf32>
      %sub3A_446 = arith.subf %sub3A_444, %sub3A_445 : vector<1x512xf32>
      %add3A_447 = arith.addf %add3A_385, %sub3A_446 : vector<1x512xf32>
      %mul3A_448 = arith.constant 4.000000e+00 : f32
      %mul3A_449 = vector.broadcast %mul3A_448 : f32 to vector<1x512xf32>
      %mul3A_450 = arith.mulf %mul3A_449, %broadcast_in_dim3A_437 : vector<1x512xf32>
      %add3A_451 = vector.broadcast %slice3A_427 : vector<1x1xf32> to vector<1x512xf32>
      %add3A_452 = arith.addf %add3A_451, %mul3A_450 : vector<1x512xf32>
      %mul3A_453 = arith.constant 8.192000e+04 : f32
      %mul3A_454 = vector.broadcast %mul3A_453 : f32 to vector<1x512xf32>
      %mul3A_455 = arith.mulf %mul3A_454, %broadcast_in_dim3A_422 : vector<1x512xf32>
      %mul3A_456 = arith.mulf %mul3A_455, %broadcast_in_dim3A_422 : vector<1x512xf32>
      %add3A_457 = arith.addf %add3A_452, %mul3A_456 : vector<1x512xf32>
      %mul3A_458 = arith.constant 4.000000e+00 : f32
      %mul3A_459 = vector.broadcast %mul3A_458 : f32 to vector<1x512xf32>
      %mul3A_460 = arith.mulf %mul3A_459, %dot_general3A_431 : vector<1x512xf32>
      %sub3A_461 = arith.subf %add3A_457, %mul3A_460 : vector<1x512xf32>
      %mul3A_462 = arith.constant 2.000000e+00 : f32
      %mul3A_463 = vector.broadcast %mul3A_462 : f32 to vector<1x1xf32>
      %mul3A_464 = arith.mulf %mul3A_463, %slice3A_426 : vector<1x1xf32>
      %mul3A_465 = vector.broadcast %mul3A_464 : vector<1x1xf32> to vector<1x512xf32>
      %mul3A_466 = arith.mulf %mul3A_465, %broadcast_in_dim3A_422 : vector<1x512xf32>
      %add3A_467 = arith.addf %sub3A_461, %mul3A_466 : vector<1x512xf32>
      %mul3A_468 = arith.constant 4.000000e+00 : f32
      %mul3A_469 = vector.broadcast %mul3A_468 : f32 to vector<1x512xf32>
      %mul3A_470 = arith.mulf %mul3A_469, %dot_general3A_429 : vector<1x512xf32>
      %mul3A_471 = arith.mulf %mul3A_470, %broadcast_in_dim3A_422 : vector<1x512xf32>
      %sub3A_472 = arith.subf %add3A_467, %mul3A_471 : vector<1x512xf32>
      %add3A_473 = arith.addf %add3A_411, %sub3A_472 : vector<1x512xf32>
      %get3A_474 = arith.constant 6 : index
      %get3A_475 = arith.constant 0 : index
      %get3A_476 = arith.constant 0 : index
      %get3A_477 = vector.load %arg1[%get3A_474, %get3A_475, %get3A_476] : memref<8x8x512xf32, #tpu.memory_space<vmem>>, vector<1x8x512xf32>
      %get3A_478 = vector.shape_cast %get3A_477 : vector<1x8x512xf32> to vector<8x512xf32>
      %convert_element_type3A_479 = arith.truncf %get3A_478 : vector<8x512xf32> to vector<8x512xbf16>
      %convert_element_type3A_480 = arith.extf %convert_element_type3A_479 : vector<8x512xbf16> to vector<8x512xf32>
      %mul3A_481 = arith.mulf %get3A_478, %get3A_478 : vector<8x512xf32>
      %reduce_sum3A_482 = arith.constant dense<0.000000e+00> : vector<512xf32>
      %reduce_sum3A_483 = vector.multi_reduction <add>, %mul3A_481, %reduce_sum3A_482 [0] : vector<8x512xf32> to vector<512xf32>
      %broadcast_in_dim3A_484 = vector.shape_cast %reduce_sum3A_483 : vector<512xf32> to vector<1x512xf32>
      %slice3A_485 = vector.extract_strided_slice %get3A_92 {offsets = [0, 48], sizes = [1, 8], strides = [1, 1]} : vector<1x64xf32> to vector<1x8xf32>
      %slice3A_486 = vector.extract_strided_slice %get3A_89 {offsets = [6, 48], sizes = [1, 8], strides = [1, 1]} : vector<8x64xf32> to vector<1x8xf32>
      %slice3A_487 = vector.extract_strided_slice %get3A_86 {offsets = [48, 48], sizes = [8, 8], strides = [1, 1]} : vector<64x64xf32> to vector<8x8xf32>
      %slice3A_488 = vector.extract_strided_slice %get3A_95 {offsets = [0, 6], sizes = [1, 1], strides = [1, 1]} : vector<1x8xf32> to vector<1x1xf32>
      %slice3A_489 = vector.extract_strided_slice %get3A_98 {offsets = [0, 6], sizes = [1, 1], strides = [1, 1]} : vector<1x8xf32> to vector<1x1xf32>
      %dot_general3A_490 = arith.constant dense<0.000000e+00> : vector<1x512xf32>
      %dot_general3A_491 = tpu.matmul %slice3A_485, %convert_element_type3A_480, %dot_general3A_490 {dimension_numbers = #tpu.dot_dimension_numbers<[1], [0], [0], [1], [0, 0, 1, 1], [], []>, precision = #tpu.contract_precision<fp32>, transpose_lhs_hint = false} : vector<1x8xf32>, vector<8x512xf32>, vector<1x512xf32> -> vector<1x512xf32>
      %dot_general3A_492 = arith.constant dense<0.000000e+00> : vector<1x512xf32>
      %dot_general3A_493 = tpu.matmul %slice3A_486, %convert_element_type3A_480, %dot_general3A_492 {dimension_numbers = #tpu.dot_dimension_numbers<[1], [0], [0], [1], [0, 0, 1, 1], [], []>, precision = #tpu.contract_precision<fp32>, transpose_lhs_hint = false} : vector<1x8xf32>, vector<8x512xf32>, vector<1x512xf32> -> vector<1x512xf32>
      %dot_general3A_494 = arith.constant dense<0.000000e+00> : vector<8x512xf32>
      %dot_general3A_495 = tpu.matmul %slice3A_487, %convert_element_type3A_480, %dot_general3A_494 {dimension_numbers = #tpu.dot_dimension_numbers<[1], [0], [0], [1], [0, 0, 1, 1], [], []>, precision = #tpu.contract_precision<fp32>, transpose_lhs_hint = false} : vector<8x8xf32>, vector<8x512xf32>, vector<8x512xf32> -> vector<8x512xf32>
      %mul3A_496 = arith.mulf %convert_element_type3A_480, %dot_general3A_495 : vector<8x512xf32>
      %reduce_sum3A_497 = arith.constant dense<0.000000e+00> : vector<512xf32>
      %reduce_sum3A_498 = vector.multi_reduction <add>, %mul3A_496, %reduce_sum3A_497 [0] : vector<8x512xf32> to vector<512xf32>
      %broadcast_in_dim3A_499 = vector.shape_cast %reduce_sum3A_498 : vector<512xf32> to vector<1x512xf32>
      %mul3A_500 = arith.constant 2.000000e+00 : f32
      %mul3A_501 = vector.broadcast %mul3A_500 : f32 to vector<1x512xf32>
      %mul3A_502 = arith.mulf %mul3A_501, %dot_general3A_491 : vector<1x512xf32>
      %mul3A_503 = arith.constant 8.192000e+04 : f32
      %mul3A_504 = vector.broadcast %mul3A_503 : f32 to vector<1x512xf32>
      %mul3A_505 = arith.mulf %mul3A_504, %broadcast_in_dim3A_484 : vector<1x512xf32>
      %sub3A_506 = arith.subf %mul3A_502, %mul3A_505 : vector<1x512xf32>
      %sub3A_507 = vector.broadcast %slice3A_488 : vector<1x1xf32> to vector<1x512xf32>
      %sub3A_508 = arith.subf %sub3A_506, %sub3A_507 : vector<1x512xf32>
      %add3A_509 = arith.addf %add3A_447, %sub3A_508 : vector<1x512xf32>
      %mul3A_510 = arith.constant 4.000000e+00 : f32
      %mul3A_511 = vector.broadcast %mul3A_510 : f32 to vector<1x512xf32>
      %mul3A_512 = arith.mulf %mul3A_511, %broadcast_in_dim3A_499 : vector<1x512xf32>
      %add3A_513 = vector.broadcast %slice3A_489 : vector<1x1xf32> to vector<1x512xf32>
      %add3A_514 = arith.addf %add3A_513, %mul3A_512 : vector<1x512xf32>
      %mul3A_515 = arith.constant 8.192000e+04 : f32
      %mul3A_516 = vector.broadcast %mul3A_515 : f32 to vector<1x512xf32>
      %mul3A_517 = arith.mulf %mul3A_516, %broadcast_in_dim3A_484 : vector<1x512xf32>
      %mul3A_518 = arith.mulf %mul3A_517, %broadcast_in_dim3A_484 : vector<1x512xf32>
      %add3A_519 = arith.addf %add3A_514, %mul3A_518 : vector<1x512xf32>
      %mul3A_520 = arith.constant 4.000000e+00 : f32
      %mul3A_521 = vector.broadcast %mul3A_520 : f32 to vector<1x512xf32>
      %mul3A_522 = arith.mulf %mul3A_521, %dot_general3A_493 : vector<1x512xf32>
      %sub3A_523 = arith.subf %add3A_519, %mul3A_522 : vector<1x512xf32>
      %mul3A_524 = arith.constant 2.000000e+00 : f32
      %mul3A_525 = vector.broadcast %mul3A_524 : f32 to vector<1x1xf32>
      %mul3A_526 = arith.mulf %mul3A_525, %slice3A_488 : vector<1x1xf32>
      %mul3A_527 = vector.broadcast %mul3A_526 : vector<1x1xf32> to vector<1x512xf32>
      %mul3A_528 = arith.mulf %mul3A_527, %broadcast_in_dim3A_484 : vector<1x512xf32>
      %add3A_529 = arith.addf %sub3A_523, %mul3A_528 : vector<1x512xf32>
      %mul3A_530 = arith.constant 4.000000e+00 : f32
      %mul3A_531 = vector.broadcast %mul3A_530 : f32 to vector<1x512xf32>
      %mul3A_532 = arith.mulf %mul3A_531, %dot_general3A_491 : vector<1x512xf32>
      %mul3A_533 = arith.mulf %mul3A_532, %broadcast_in_dim3A_484 : vector<1x512xf32>
      %sub3A_534 = arith.subf %add3A_529, %mul3A_533 : vector<1x512xf32>
      %add3A_535 = arith.addf %add3A_473, %sub3A_534 : vector<1x512xf32>
      %get3A_536 = arith.constant 7 : index
      %get3A_537 = arith.constant 0 : index
      %get3A_538 = arith.constant 0 : index
      %get3A_539 = vector.load %arg1[%get3A_536, %get3A_537, %get3A_538] : memref<8x8x512xf32, #tpu.memory_space<vmem>>, vector<1x8x512xf32>
      %get3A_540 = vector.shape_cast %get3A_539 : vector<1x8x512xf32> to vector<8x512xf32>
      %convert_element_type3A_541 = arith.truncf %get3A_540 : vector<8x512xf32> to vector<8x512xbf16>
      %convert_element_type3A_542 = arith.extf %convert_element_type3A_541 : vector<8x512xbf16> to vector<8x512xf32>
      %mul3A_543 = arith.mulf %get3A_540, %get3A_540 : vector<8x512xf32>
      %reduce_sum3A_544 = arith.constant dense<0.000000e+00> : vector<512xf32>
      %reduce_sum3A_545 = vector.multi_reduction <add>, %mul3A_543, %reduce_sum3A_544 [0] : vector<8x512xf32> to vector<512xf32>
      %broadcast_in_dim3A_546 = vector.shape_cast %reduce_sum3A_545 : vector<512xf32> to vector<1x512xf32>
      %slice3A_547 = vector.extract_strided_slice %get3A_92 {offsets = [0, 56], sizes = [1, 8], strides = [1, 1]} : vector<1x64xf32> to vector<1x8xf32>
      %slice3A_548 = vector.extract_strided_slice %get3A_89 {offsets = [7, 56], sizes = [1, 8], strides = [1, 1]} : vector<8x64xf32> to vector<1x8xf32>
      %slice3A_549 = vector.extract_strided_slice %get3A_86 {offsets = [56, 56], sizes = [8, 8], strides = [1, 1]} : vector<64x64xf32> to vector<8x8xf32>
      %slice3A_550 = vector.extract_strided_slice %get3A_95 {offsets = [0, 7], sizes = [1, 1], strides = [1, 1]} : vector<1x8xf32> to vector<1x1xf32>
      %slice3A_551 = vector.extract_strided_slice %get3A_98 {offsets = [0, 7], sizes = [1, 1], strides = [1, 1]} : vector<1x8xf32> to vector<1x1xf32>
      %dot_general3A_552 = arith.constant dense<0.000000e+00> : vector<1x512xf32>
      %dot_general3A_553 = tpu.matmul %slice3A_547, %convert_element_type3A_542, %dot_general3A_552 {dimension_numbers = #tpu.dot_dimension_numbers<[1], [0], [0], [1], [0, 0, 1, 1], [], []>, precision = #tpu.contract_precision<fp32>, transpose_lhs_hint = false} : vector<1x8xf32>, vector<8x512xf32>, vector<1x512xf32> -> vector<1x512xf32>
      %dot_general3A_554 = arith.constant dense<0.000000e+00> : vector<1x512xf32>
      %dot_general3A_555 = tpu.matmul %slice3A_548, %convert_element_type3A_542, %dot_general3A_554 {dimension_numbers = #tpu.dot_dimension_numbers<[1], [0], [0], [1], [0, 0, 1, 1], [], []>, precision = #tpu.contract_precision<fp32>, transpose_lhs_hint = false} : vector<1x8xf32>, vector<8x512xf32>, vector<1x512xf32> -> vector<1x512xf32>
      %dot_general3A_556 = arith.constant dense<0.000000e+00> : vector<8x512xf32>
      %dot_general3A_557 = tpu.matmul %slice3A_549, %convert_element_type3A_542, %dot_general3A_556 {dimension_numbers = #tpu.dot_dimension_numbers<[1], [0], [0], [1], [0, 0, 1, 1], [], []>, precision = #tpu.contract_precision<fp32>, transpose_lhs_hint = false} : vector<8x8xf32>, vector<8x512xf32>, vector<8x512xf32> -> vector<8x512xf32>
      %mul3A_558 = arith.mulf %convert_element_type3A_542, %dot_general3A_557 : vector<8x512xf32>
      %reduce_sum3A_559 = arith.constant dense<0.000000e+00> : vector<512xf32>
      %reduce_sum3A_560 = vector.multi_reduction <add>, %mul3A_558, %reduce_sum3A_559 [0] : vector<8x512xf32> to vector<512xf32>
      %broadcast_in_dim3A_561 = vector.shape_cast %reduce_sum3A_560 : vector<512xf32> to vector<1x512xf32>
      %mul3A_562 = arith.constant 2.000000e+00 : f32
      %mul3A_563 = vector.broadcast %mul3A_562 : f32 to vector<1x512xf32>
      %mul3A_564 = arith.mulf %mul3A_563, %dot_general3A_553 : vector<1x512xf32>
      %mul3A_565 = arith.constant 8.192000e+04 : f32
      %mul3A_566 = vector.broadcast %mul3A_565 : f32 to vector<1x512xf32>
      %mul3A_567 = arith.mulf %mul3A_566, %broadcast_in_dim3A_546 : vector<1x512xf32>
      %sub3A_568 = arith.subf %mul3A_564, %mul3A_567 : vector<1x512xf32>
      %sub3A_569 = vector.broadcast %slice3A_550 : vector<1x1xf32> to vector<1x512xf32>
      %sub3A_570 = arith.subf %sub3A_568, %sub3A_569 : vector<1x512xf32>
      %add3A_571 = arith.addf %add3A_509, %sub3A_570 : vector<1x512xf32>
      %mul3A_572 = arith.constant 4.000000e+00 : f32
      %mul3A_573 = vector.broadcast %mul3A_572 : f32 to vector<1x512xf32>
      %mul3A_574 = arith.mulf %mul3A_573, %broadcast_in_dim3A_561 : vector<1x512xf32>
      %add3A_575 = vector.broadcast %slice3A_551 : vector<1x1xf32> to vector<1x512xf32>
      %add3A_576 = arith.addf %add3A_575, %mul3A_574 : vector<1x512xf32>
      %mul3A_577 = arith.constant 8.192000e+04 : f32
      %mul3A_578 = vector.broadcast %mul3A_577 : f32 to vector<1x512xf32>
      %mul3A_579 = arith.mulf %mul3A_578, %broadcast_in_dim3A_546 : vector<1x512xf32>
      %mul3A_580 = arith.mulf %mul3A_579, %broadcast_in_dim3A_546 : vector<1x512xf32>
      %add3A_581 = arith.addf %add3A_576, %mul3A_580 : vector<1x512xf32>
      %mul3A_582 = arith.constant 4.000000e+00 : f32
      %mul3A_583 = vector.broadcast %mul3A_582 : f32 to vector<1x512xf32>
      %mul3A_584 = arith.mulf %mul3A_583, %dot_general3A_555 : vector<1x512xf32>
      %sub3A_585 = arith.subf %add3A_581, %mul3A_584 : vector<1x512xf32>
      %mul3A_586 = arith.constant 2.000000e+00 : f32
      %mul3A_587 = vector.broadcast %mul3A_586 : f32 to vector<1x1xf32>
      %mul3A_588 = arith.mulf %mul3A_587, %slice3A_550 : vector<1x1xf32>
      %mul3A_589 = vector.broadcast %mul3A_588 : vector<1x1xf32> to vector<1x512xf32>
      %mul3A_590 = arith.mulf %mul3A_589, %broadcast_in_dim3A_546 : vector<1x512xf32>
      %add3A_591 = arith.addf %sub3A_585, %mul3A_590 : vector<1x512xf32>
      %mul3A_592 = arith.constant 4.000000e+00 : f32
      %mul3A_593 = vector.broadcast %mul3A_592 : f32 to vector<1x512xf32>
      %mul3A_594 = arith.mulf %mul3A_593, %dot_general3A_553 : vector<1x512xf32>
      %mul3A_595 = arith.mulf %mul3A_594, %broadcast_in_dim3A_546 : vector<1x512xf32>
      %sub3A_596 = arith.subf %add3A_591, %mul3A_595 : vector<1x512xf32>
      %add3A_597 = arith.addf %add3A_535, %sub3A_596 : vector<1x512xf32>
      %div3A_598 = arith.constant 6.553600e+05 : f32
      %div3A_599 = vector.broadcast %div3A_598 : f32 to vector<1x512xf32>
      %div3A_600 = arith.divf %add3A_571, %div3A_599 : vector<1x512xf32>
      %div3A_601 = arith.constant 6.553600e+05 : f32
      %div3A_602 = vector.broadcast %div3A_601 : f32 to vector<1x512xf32>
      %div3A_603 = arith.divf %add3A_597, %div3A_602 : vector<1x512xf32>
      %mul3A_604 = arith.mulf %div3A_600, %div3A_600 : vector<1x512xf32>
      %sub3A_605 = arith.subf %div3A_603, %mul3A_604 : vector<1x512xf32>
      %swap3A_606 = arith.constant 0 : index
      %swap3A_607 = arith.constant 0 : index
      %swap3A_608 = vector.load %arg3[%swap3A_606, %swap3A_607] : memref<2x512xf32, #tpu.memory_space<vmem>>, vector<1x512xf32>
      tpu.vector_store %arg3[%swap3A_606, %swap3A_607], %div3A_600 {strides = array<i32>} : memref<2x512xf32, #tpu.memory_space<vmem>>, vector<1x512xf32>,
      %add3A_609 = arith.constant 1.000000e-03 : f32
      %add3A_610 = vector.broadcast %add3A_609 : f32 to vector<1x512xf32>
      %add3A_611 = arith.addf %sub3A_605, %add3A_610 : vector<1x512xf32>
      %rsqrt3A = math.rsqrt %add3A_611 : vector<1x512xf32>
      %swap3A_612 = arith.constant 1 : index
      %swap3A_613 = arith.constant 0 : index
      %swap3A_614 = vector.load %arg3[%swap3A_612, %swap3A_613] : memref<2x512xf32, #tpu.memory_space<vmem>>, vector<1x512xf32>
      tpu.vector_store %arg3[%swap3A_612, %swap3A_613], %rsqrt3A {strides = array<i32>} : memref<2x512xf32, #tpu.memory_space<vmem>>, vector<1x512xf32>,
    } else {
    }
    return
  }
  func.func @transform_0(%arg0: i32) -> (i32, i32, i32) {
    %c0_i32 = arith.constant 0 : i32
    %c0_i32_0 = arith.constant 0 : i32
    %c0_i32_1 = arith.constant 0 : i32
    %c0_i32_2 = arith.constant 0 : i32
    return %c0_i32, %c0_i32_0, %c0_i32_1 : i32, i32, i32
  }
  func.func @transform_1(%arg0: i32) -> (i32, i32) {
    %c0_i32 = arith.constant 0 : i32
    %c0_i32_0 = arith.constant 0 : i32
    return %arg0, %c0_i32 : i32, i32
  }
  func.func @transform_2(%arg0: i32) -> (i32, i32) {
    %c0_i32 = arith.constant 0 : i32
    %c0_i32_0 = arith.constant 0 : i32
    %c0_i32_1 = arith.constant 0 : i32
    return %c0_i32, %c0_i32_0 : i32, i32
  }
}

module attributes {stable_mosaic.version = 14 : i64} {
  func.func @_assign_kernel(%arg0: i32, %arg1: memref<8x8x512xf32, #tpu.memory_space<vmem>>, %arg2: memref<8x512x8xf32, #tpu.memory_space<vmem>>, %arg3: memref<2x512xf32, #tpu.memory_space<vmem>>, %arg4: memref<1024x64xf32, #tpu.memory_space<vmem>>, %arg5: memref<1024x64xf32, #tpu.memory_space<vmem>>) attributes {dimension_semantics = [#tpu.dimension_semantics<arbitrary>], iteration_bounds = array<i64: 80>, scalar_prefetch = 0 : i64, scratch_operands = 0 : i64, tpu.core_type = #tpu.core_type<tc>, window_params = [{pipeline_mode = #tpu.pipeline_mode<synchronous>, transform_indices = @transform_0, window_bounds = array<i64: 8, 8, 512>}, {pipeline_mode = #tpu.pipeline_mode<synchronous>, transform_indices = @transform_1, window_bounds = array<i64: 8, 512, 8>}, {pipeline_mode = #tpu.pipeline_mode<synchronous>, transform_indices = @transform_2, window_bounds = array<i64: 2, 512>}, {transform_indices = @transform_3, window_bounds = array<i64: 1024, 64>}, {transform_indices = @transform_4, window_bounds = array<i64: 1024, 64>}]} {
    %get3A = arith.constant 0 : index
    %get3A_0 = arith.constant 0 : index
    %get3A_1 = vector.load %arg4[%get3A, %get3A_0] : memref<1024x64xf32, #tpu.memory_space<vmem>>, vector<1024x64xf32>
    %get3A_2 = arith.constant 0 : index
    %get3A_3 = arith.constant 0 : index
    %get3A_4 = vector.load %arg3[%get3A_2, %get3A_3] : memref<2x512xf32, #tpu.memory_space<vmem>>, vector<1x512xf32>
    %get3A_5 = arith.constant 1 : index
    %get3A_6 = arith.constant 0 : index
    %get3A_7 = vector.load %arg3[%get3A_5, %get3A_6] : memref<2x512xf32, #tpu.memory_space<vmem>>, vector<1x512xf32>
    %slice3A = vector.extract_strided_slice %get3A_1 {offsets = [0, 0], sizes = [1024, 8], strides = [1, 1]} : vector<1024x64xf32> to vector<1024x8xf32>
    %get3A_8 = arith.constant 0 : index
    %get3A_9 = arith.constant 0 : index
    %get3A_10 = arith.constant 0 : index
    %get3A_11 = vector.load %arg1[%get3A_8, %get3A_9, %get3A_10] : memref<8x8x512xf32, #tpu.memory_space<vmem>>, vector<1x8x512xf32>
    %get3A_12 = vector.shape_cast %get3A_11 : vector<1x8x512xf32> to vector<8x512xf32>
    %dot_general3A = arith.constant dense<0.000000e+00> : vector<1024x512xf32>
    %dot_general3A_13 = tpu.matmul %slice3A, %get3A_12, %dot_general3A {dimension_numbers = #tpu.dot_dimension_numbers<[1], [0], [0], [1], [0, 0, 1, 1], [], []>, transpose_lhs_hint = false} : vector<1024x8xf32>, vector<8x512xf32>, vector<1024x512xf32> -> vector<1024x512xf32>
    %mul3A = arith.mulf %slice3A, %slice3A : vector<1024x8xf32>
    %reduce_sum3A = arith.constant dense<0.000000e+00> : vector<1024xf32>
    %reduce_sum3A_14 = vector.multi_reduction <add>, %mul3A, %reduce_sum3A [1] : vector<1024x8xf32> to vector<1024xf32>
    %broadcast_in_dim3A = vector.shape_cast %reduce_sum3A_14 : vector<1024xf32> to vector<1024x1xf32>
    %mul3A_15 = arith.mulf %get3A_12, %get3A_12 : vector<8x512xf32>
    %reduce_sum3A_16 = arith.constant dense<0.000000e+00> : vector<512xf32>
    %reduce_sum3A_17 = vector.multi_reduction <add>, %mul3A_15, %reduce_sum3A_16 [0] : vector<8x512xf32> to vector<512xf32>
    %broadcast_in_dim3A_18 = vector.shape_cast %reduce_sum3A_17 : vector<512xf32> to vector<1x512xf32>
    %mul3A_19 = arith.constant 2.000000e+00 : f32
    %mul3A_20 = vector.broadcast %mul3A_19 : f32 to vector<1024x512xf32>
    %mul3A_21 = arith.mulf %mul3A_20, %dot_general3A_13 : vector<1024x512xf32>
    %sub3A = vector.broadcast %broadcast_in_dim3A : vector<1024x1xf32> to vector<1024x512xf32>
    %sub3A_22 = arith.subf %mul3A_21, %sub3A : vector<1024x512xf32>
    %sub3A_23 = vector.broadcast %broadcast_in_dim3A_18 : vector<1x512xf32> to vector<1024x512xf32>
    %sub3A_24 = arith.subf %sub3A_22, %sub3A_23 : vector<1024x512xf32>
    %sub3A_25 = vector.broadcast %get3A_4 : vector<1x512xf32> to vector<1024x512xf32>
    %sub3A_26 = arith.subf %sub3A_24, %sub3A_25 : vector<1024x512xf32>
    %mul3A_27 = vector.broadcast %get3A_7 : vector<1x512xf32> to vector<1024x512xf32>
    %mul3A_28 = arith.mulf %sub3A_26, %mul3A_27 : vector<1024x512xf32>
    %reduce_max3A = arith.constant dense<0xFF800000> : vector<1024xf32>
    %reduce_max3A_29 = vector.multi_reduction <maximumf>, %mul3A_28, %reduce_max3A [1] : vector<1024x512xf32> to vector<1024xf32>
    %broadcast_in_dim3A_30 = vector.shape_cast %reduce_max3A_29 : vector<1024xf32> to vector<1024x1xf32>
    %eq3A = vector.broadcast %broadcast_in_dim3A_30 : vector<1024x1xf32> to vector<1024x512xf32>
    %eq3A_31 = arith.cmpf oeq, %mul3A_28, %eq3A : vector<1024x512xf32>
    %convert_element_type3A = arith.extui %eq3A_31 : vector<1024x512xi1> to vector<1024x512xi32>
    %convert_element_type3A_32 = arith.sitofp %convert_element_type3A : vector<1024x512xi32> to vector<1024x512xf32>
    %get3A_33 = arith.constant 0 : index
    %get3A_34 = arith.constant 0 : index
    %get3A_35 = arith.constant 0 : index
    %get3A_36 = vector.load %arg2[%get3A_33, %get3A_34, %get3A_35] : memref<8x512x8xf32, #tpu.memory_space<vmem>>, vector<1x512x8xf32>
    %get3A_37 = vector.shape_cast %get3A_36 : vector<1x512x8xf32> to vector<512x8xf32>
    %dot_general3A_38 = arith.constant dense<0.000000e+00> : vector<1024x8xf32>
    %dot_general3A_39 = tpu.matmul %convert_element_type3A_32, %get3A_37, %dot_general3A_38 {dimension_numbers = #tpu.dot_dimension_numbers<[1], [0], [0], [1], [0, 0, 1, 1], [], []>, transpose_lhs_hint = false} : vector<1024x512xf32>, vector<512x8xf32>, vector<1024x8xf32> -> vector<1024x8xf32>
    %swap3A = arith.constant 0 : index
    %swap3A_40 = arith.constant 0 : index
    %swap3A_41 = vector.load %arg5[%swap3A, %swap3A_40] : memref<1024x64xf32, #tpu.memory_space<vmem>>, vector<1024x8xf32>
    tpu.vector_store %arg5[%swap3A, %swap3A_40], %dot_general3A_39 {strides = array<i32>} : memref<1024x64xf32, #tpu.memory_space<vmem>>, vector<1024x8xf32>,
    %slice3A_42 = vector.extract_strided_slice %get3A_1 {offsets = [0, 8], sizes = [1024, 8], strides = [1, 1]} : vector<1024x64xf32> to vector<1024x8xf32>
    %get3A_43 = arith.constant 1 : index
    %get3A_44 = arith.constant 0 : index
    %get3A_45 = arith.constant 0 : index
    %get3A_46 = vector.load %arg1[%get3A_43, %get3A_44, %get3A_45] : memref<8x8x512xf32, #tpu.memory_space<vmem>>, vector<1x8x512xf32>
    %get3A_47 = vector.shape_cast %get3A_46 : vector<1x8x512xf32> to vector<8x512xf32>
    %dot_general3A_48 = arith.constant dense<0.000000e+00> : vector<1024x512xf32>
    %dot_general3A_49 = tpu.matmul %slice3A_42, %get3A_47, %dot_general3A_48 {dimension_numbers = #tpu.dot_dimension_numbers<[1], [0], [0], [1], [0, 0, 1, 1], [], []>, transpose_lhs_hint = false} : vector<1024x8xf32>, vector<8x512xf32>, vector<1024x512xf32> -> vector<1024x512xf32>
    %mul3A_50 = arith.mulf %slice3A_42, %slice3A_42 : vector<1024x8xf32>
    %reduce_sum3A_51 = arith.constant dense<0.000000e+00> : vector<1024xf32>
    %reduce_sum3A_52 = vector.multi_reduction <add>, %mul3A_50, %reduce_sum3A_51 [1] : vector<1024x8xf32> to vector<1024xf32>
    %broadcast_in_dim3A_53 = vector.shape_cast %reduce_sum3A_52 : vector<1024xf32> to vector<1024x1xf32>
    %mul3A_54 = arith.mulf %get3A_47, %get3A_47 : vector<8x512xf32>
    %reduce_sum3A_55 = arith.constant dense<0.000000e+00> : vector<512xf32>
    %reduce_sum3A_56 = vector.multi_reduction <add>, %mul3A_54, %reduce_sum3A_55 [0] : vector<8x512xf32> to vector<512xf32>
    %broadcast_in_dim3A_57 = vector.shape_cast %reduce_sum3A_56 : vector<512xf32> to vector<1x512xf32>
    %mul3A_58 = arith.constant 2.000000e+00 : f32
    %mul3A_59 = vector.broadcast %mul3A_58 : f32 to vector<1024x512xf32>
    %mul3A_60 = arith.mulf %mul3A_59, %dot_general3A_49 : vector<1024x512xf32>
    %sub3A_61 = vector.broadcast %broadcast_in_dim3A_53 : vector<1024x1xf32> to vector<1024x512xf32>
    %sub3A_62 = arith.subf %mul3A_60, %sub3A_61 : vector<1024x512xf32>
    %sub3A_63 = vector.broadcast %broadcast_in_dim3A_57 : vector<1x512xf32> to vector<1024x512xf32>
    %sub3A_64 = arith.subf %sub3A_62, %sub3A_63 : vector<1024x512xf32>
    %sub3A_65 = vector.broadcast %get3A_4 : vector<1x512xf32> to vector<1024x512xf32>
    %sub3A_66 = arith.subf %sub3A_64, %sub3A_65 : vector<1024x512xf32>
    %mul3A_67 = vector.broadcast %get3A_7 : vector<1x512xf32> to vector<1024x512xf32>
    %mul3A_68 = arith.mulf %sub3A_66, %mul3A_67 : vector<1024x512xf32>
    %reduce_max3A_69 = arith.constant dense<0xFF800000> : vector<1024xf32>
    %reduce_max3A_70 = vector.multi_reduction <maximumf>, %mul3A_68, %reduce_max3A_69 [1] : vector<1024x512xf32> to vector<1024xf32>
    %broadcast_in_dim3A_71 = vector.shape_cast %reduce_max3A_70 : vector<1024xf32> to vector<1024x1xf32>
    %eq3A_72 = vector.broadcast %broadcast_in_dim3A_71 : vector<1024x1xf32> to vector<1024x512xf32>
    %eq3A_73 = arith.cmpf oeq, %mul3A_68, %eq3A_72 : vector<1024x512xf32>
    %convert_element_type3A_74 = arith.extui %eq3A_73 : vector<1024x512xi1> to vector<1024x512xi32>
    %convert_element_type3A_75 = arith.sitofp %convert_element_type3A_74 : vector<1024x512xi32> to vector<1024x512xf32>
    %get3A_76 = arith.constant 1 : index
    %get3A_77 = arith.constant 0 : index
    %get3A_78 = arith.constant 0 : index
    %get3A_79 = vector.load %arg2[%get3A_76, %get3A_77, %get3A_78] : memref<8x512x8xf32, #tpu.memory_space<vmem>>, vector<1x512x8xf32>
    %get3A_80 = vector.shape_cast %get3A_79 : vector<1x512x8xf32> to vector<512x8xf32>
    %dot_general3A_81 = arith.constant dense<0.000000e+00> : vector<1024x8xf32>
    %dot_general3A_82 = tpu.matmul %convert_element_type3A_75, %get3A_80, %dot_general3A_81 {dimension_numbers = #tpu.dot_dimension_numbers<[1], [0], [0], [1], [0, 0, 1, 1], [], []>, transpose_lhs_hint = false} : vector<1024x512xf32>, vector<512x8xf32>, vector<1024x8xf32> -> vector<1024x8xf32>
    %swap3A_83 = arith.constant 0 : index
    %swap3A_84 = arith.constant 8 : index
    %swap3A_85 = vector.load %arg5[%swap3A_83, %swap3A_84] : memref<1024x64xf32, #tpu.memory_space<vmem>>, vector<1024x8xf32>
    tpu.vector_store %arg5[%swap3A_83, %swap3A_84], %dot_general3A_82 {strides = array<i32>} : memref<1024x64xf32, #tpu.memory_space<vmem>>, vector<1024x8xf32>,
    %slice3A_86 = vector.extract_strided_slice %get3A_1 {offsets = [0, 16], sizes = [1024, 8], strides = [1, 1]} : vector<1024x64xf32> to vector<1024x8xf32>
    %get3A_87 = arith.constant 2 : index
    %get3A_88 = arith.constant 0 : index
    %get3A_89 = arith.constant 0 : index
    %get3A_90 = vector.load %arg1[%get3A_87, %get3A_88, %get3A_89] : memref<8x8x512xf32, #tpu.memory_space<vmem>>, vector<1x8x512xf32>
    %get3A_91 = vector.shape_cast %get3A_90 : vector<1x8x512xf32> to vector<8x512xf32>
    %dot_general3A_92 = arith.constant dense<0.000000e+00> : vector<1024x512xf32>
    %dot_general3A_93 = tpu.matmul %slice3A_86, %get3A_91, %dot_general3A_92 {dimension_numbers = #tpu.dot_dimension_numbers<[1], [0], [0], [1], [0, 0, 1, 1], [], []>, transpose_lhs_hint = false} : vector<1024x8xf32>, vector<8x512xf32>, vector<1024x512xf32> -> vector<1024x512xf32>
    %mul3A_94 = arith.mulf %slice3A_86, %slice3A_86 : vector<1024x8xf32>
    %reduce_sum3A_95 = arith.constant dense<0.000000e+00> : vector<1024xf32>
    %reduce_sum3A_96 = vector.multi_reduction <add>, %mul3A_94, %reduce_sum3A_95 [1] : vector<1024x8xf32> to vector<1024xf32>
    %broadcast_in_dim3A_97 = vector.shape_cast %reduce_sum3A_96 : vector<1024xf32> to vector<1024x1xf32>
    %mul3A_98 = arith.mulf %get3A_91, %get3A_91 : vector<8x512xf32>
    %reduce_sum3A_99 = arith.constant dense<0.000000e+00> : vector<512xf32>
    %reduce_sum3A_100 = vector.multi_reduction <add>, %mul3A_98, %reduce_sum3A_99 [0] : vector<8x512xf32> to vector<512xf32>
    %broadcast_in_dim3A_101 = vector.shape_cast %reduce_sum3A_100 : vector<512xf32> to vector<1x512xf32>
    %mul3A_102 = arith.constant 2.000000e+00 : f32
    %mul3A_103 = vector.broadcast %mul3A_102 : f32 to vector<1024x512xf32>
    %mul3A_104 = arith.mulf %mul3A_103, %dot_general3A_93 : vector<1024x512xf32>
    %sub3A_105 = vector.broadcast %broadcast_in_dim3A_97 : vector<1024x1xf32> to vector<1024x512xf32>
    %sub3A_106 = arith.subf %mul3A_104, %sub3A_105 : vector<1024x512xf32>
    %sub3A_107 = vector.broadcast %broadcast_in_dim3A_101 : vector<1x512xf32> to vector<1024x512xf32>
    %sub3A_108 = arith.subf %sub3A_106, %sub3A_107 : vector<1024x512xf32>
    %sub3A_109 = vector.broadcast %get3A_4 : vector<1x512xf32> to vector<1024x512xf32>
    %sub3A_110 = arith.subf %sub3A_108, %sub3A_109 : vector<1024x512xf32>
    %mul3A_111 = vector.broadcast %get3A_7 : vector<1x512xf32> to vector<1024x512xf32>
    %mul3A_112 = arith.mulf %sub3A_110, %mul3A_111 : vector<1024x512xf32>
    %reduce_max3A_113 = arith.constant dense<0xFF800000> : vector<1024xf32>
    %reduce_max3A_114 = vector.multi_reduction <maximumf>, %mul3A_112, %reduce_max3A_113 [1] : vector<1024x512xf32> to vector<1024xf32>
    %broadcast_in_dim3A_115 = vector.shape_cast %reduce_max3A_114 : vector<1024xf32> to vector<1024x1xf32>
    %eq3A_116 = vector.broadcast %broadcast_in_dim3A_115 : vector<1024x1xf32> to vector<1024x512xf32>
    %eq3A_117 = arith.cmpf oeq, %mul3A_112, %eq3A_116 : vector<1024x512xf32>
    %convert_element_type3A_118 = arith.extui %eq3A_117 : vector<1024x512xi1> to vector<1024x512xi32>
    %convert_element_type3A_119 = arith.sitofp %convert_element_type3A_118 : vector<1024x512xi32> to vector<1024x512xf32>
    %get3A_120 = arith.constant 2 : index
    %get3A_121 = arith.constant 0 : index
    %get3A_122 = arith.constant 0 : index
    %get3A_123 = vector.load %arg2[%get3A_120, %get3A_121, %get3A_122] : memref<8x512x8xf32, #tpu.memory_space<vmem>>, vector<1x512x8xf32>
    %get3A_124 = vector.shape_cast %get3A_123 : vector<1x512x8xf32> to vector<512x8xf32>
    %dot_general3A_125 = arith.constant dense<0.000000e+00> : vector<1024x8xf32>
    %dot_general3A_126 = tpu.matmul %convert_element_type3A_119, %get3A_124, %dot_general3A_125 {dimension_numbers = #tpu.dot_dimension_numbers<[1], [0], [0], [1], [0, 0, 1, 1], [], []>, transpose_lhs_hint = false} : vector<1024x512xf32>, vector<512x8xf32>, vector<1024x8xf32> -> vector<1024x8xf32>
    %swap3A_127 = arith.constant 0 : index
    %swap3A_128 = arith.constant 16 : index
    %swap3A_129 = vector.load %arg5[%swap3A_127, %swap3A_128] : memref<1024x64xf32, #tpu.memory_space<vmem>>, vector<1024x8xf32>
    tpu.vector_store %arg5[%swap3A_127, %swap3A_128], %dot_general3A_126 {strides = array<i32>} : memref<1024x64xf32, #tpu.memory_space<vmem>>, vector<1024x8xf32>,
    %slice3A_130 = vector.extract_strided_slice %get3A_1 {offsets = [0, 24], sizes = [1024, 8], strides = [1, 1]} : vector<1024x64xf32> to vector<1024x8xf32>
    %get3A_131 = arith.constant 3 : index
    %get3A_132 = arith.constant 0 : index
    %get3A_133 = arith.constant 0 : index
    %get3A_134 = vector.load %arg1[%get3A_131, %get3A_132, %get3A_133] : memref<8x8x512xf32, #tpu.memory_space<vmem>>, vector<1x8x512xf32>
    %get3A_135 = vector.shape_cast %get3A_134 : vector<1x8x512xf32> to vector<8x512xf32>
    %dot_general3A_136 = arith.constant dense<0.000000e+00> : vector<1024x512xf32>
    %dot_general3A_137 = tpu.matmul %slice3A_130, %get3A_135, %dot_general3A_136 {dimension_numbers = #tpu.dot_dimension_numbers<[1], [0], [0], [1], [0, 0, 1, 1], [], []>, transpose_lhs_hint = false} : vector<1024x8xf32>, vector<8x512xf32>, vector<1024x512xf32> -> vector<1024x512xf32>
    %mul3A_138 = arith.mulf %slice3A_130, %slice3A_130 : vector<1024x8xf32>
    %reduce_sum3A_139 = arith.constant dense<0.000000e+00> : vector<1024xf32>
    %reduce_sum3A_140 = vector.multi_reduction <add>, %mul3A_138, %reduce_sum3A_139 [1] : vector<1024x8xf32> to vector<1024xf32>
    %broadcast_in_dim3A_141 = vector.shape_cast %reduce_sum3A_140 : vector<1024xf32> to vector<1024x1xf32>
    %mul3A_142 = arith.mulf %get3A_135, %get3A_135 : vector<8x512xf32>
    %reduce_sum3A_143 = arith.constant dense<0.000000e+00> : vector<512xf32>
    %reduce_sum3A_144 = vector.multi_reduction <add>, %mul3A_142, %reduce_sum3A_143 [0] : vector<8x512xf32> to vector<512xf32>
    %broadcast_in_dim3A_145 = vector.shape_cast %reduce_sum3A_144 : vector<512xf32> to vector<1x512xf32>
    %mul3A_146 = arith.constant 2.000000e+00 : f32
    %mul3A_147 = vector.broadcast %mul3A_146 : f32 to vector<1024x512xf32>
    %mul3A_148 = arith.mulf %mul3A_147, %dot_general3A_137 : vector<1024x512xf32>
    %sub3A_149 = vector.broadcast %broadcast_in_dim3A_141 : vector<1024x1xf32> to vector<1024x512xf32>
    %sub3A_150 = arith.subf %mul3A_148, %sub3A_149 : vector<1024x512xf32>
    %sub3A_151 = vector.broadcast %broadcast_in_dim3A_145 : vector<1x512xf32> to vector<1024x512xf32>
    %sub3A_152 = arith.subf %sub3A_150, %sub3A_151 : vector<1024x512xf32>
    %sub3A_153 = vector.broadcast %get3A_4 : vector<1x512xf32> to vector<1024x512xf32>
    %sub3A_154 = arith.subf %sub3A_152, %sub3A_153 : vector<1024x512xf32>
    %mul3A_155 = vector.broadcast %get3A_7 : vector<1x512xf32> to vector<1024x512xf32>
    %mul3A_156 = arith.mulf %sub3A_154, %mul3A_155 : vector<1024x512xf32>
    %reduce_max3A_157 = arith.constant dense<0xFF800000> : vector<1024xf32>
    %reduce_max3A_158 = vector.multi_reduction <maximumf>, %mul3A_156, %reduce_max3A_157 [1] : vector<1024x512xf32> to vector<1024xf32>
    %broadcast_in_dim3A_159 = vector.shape_cast %reduce_max3A_158 : vector<1024xf32> to vector<1024x1xf32>
    %eq3A_160 = vector.broadcast %broadcast_in_dim3A_159 : vector<1024x1xf32> to vector<1024x512xf32>
    %eq3A_161 = arith.cmpf oeq, %mul3A_156, %eq3A_160 : vector<1024x512xf32>
    %convert_element_type3A_162 = arith.extui %eq3A_161 : vector<1024x512xi1> to vector<1024x512xi32>
    %convert_element_type3A_163 = arith.sitofp %convert_element_type3A_162 : vector<1024x512xi32> to vector<1024x512xf32>
    %get3A_164 = arith.constant 3 : index
    %get3A_165 = arith.constant 0 : index
    %get3A_166 = arith.constant 0 : index
    %get3A_167 = vector.load %arg2[%get3A_164, %get3A_165, %get3A_166] : memref<8x512x8xf32, #tpu.memory_space<vmem>>, vector<1x512x8xf32>
    %get3A_168 = vector.shape_cast %get3A_167 : vector<1x512x8xf32> to vector<512x8xf32>
    %dot_general3A_169 = arith.constant dense<0.000000e+00> : vector<1024x8xf32>
    %dot_general3A_170 = tpu.matmul %convert_element_type3A_163, %get3A_168, %dot_general3A_169 {dimension_numbers = #tpu.dot_dimension_numbers<[1], [0], [0], [1], [0, 0, 1, 1], [], []>, transpose_lhs_hint = false} : vector<1024x512xf32>, vector<512x8xf32>, vector<1024x8xf32> -> vector<1024x8xf32>
    %swap3A_171 = arith.constant 0 : index
    %swap3A_172 = arith.constant 24 : index
    %swap3A_173 = vector.load %arg5[%swap3A_171, %swap3A_172] : memref<1024x64xf32, #tpu.memory_space<vmem>>, vector<1024x8xf32>
    tpu.vector_store %arg5[%swap3A_171, %swap3A_172], %dot_general3A_170 {strides = array<i32>} : memref<1024x64xf32, #tpu.memory_space<vmem>>, vector<1024x8xf32>,
    %slice3A_174 = vector.extract_strided_slice %get3A_1 {offsets = [0, 32], sizes = [1024, 8], strides = [1, 1]} : vector<1024x64xf32> to vector<1024x8xf32>
    %get3A_175 = arith.constant 4 : index
    %get3A_176 = arith.constant 0 : index
    %get3A_177 = arith.constant 0 : index
    %get3A_178 = vector.load %arg1[%get3A_175, %get3A_176, %get3A_177] : memref<8x8x512xf32, #tpu.memory_space<vmem>>, vector<1x8x512xf32>
    %get3A_179 = vector.shape_cast %get3A_178 : vector<1x8x512xf32> to vector<8x512xf32>
    %dot_general3A_180 = arith.constant dense<0.000000e+00> : vector<1024x512xf32>
    %dot_general3A_181 = tpu.matmul %slice3A_174, %get3A_179, %dot_general3A_180 {dimension_numbers = #tpu.dot_dimension_numbers<[1], [0], [0], [1], [0, 0, 1, 1], [], []>, transpose_lhs_hint = false} : vector<1024x8xf32>, vector<8x512xf32>, vector<1024x512xf32> -> vector<1024x512xf32>
    %mul3A_182 = arith.mulf %slice3A_174, %slice3A_174 : vector<1024x8xf32>
    %reduce_sum3A_183 = arith.constant dense<0.000000e+00> : vector<1024xf32>
    %reduce_sum3A_184 = vector.multi_reduction <add>, %mul3A_182, %reduce_sum3A_183 [1] : vector<1024x8xf32> to vector<1024xf32>
    %broadcast_in_dim3A_185 = vector.shape_cast %reduce_sum3A_184 : vector<1024xf32> to vector<1024x1xf32>
    %mul3A_186 = arith.mulf %get3A_179, %get3A_179 : vector<8x512xf32>
    %reduce_sum3A_187 = arith.constant dense<0.000000e+00> : vector<512xf32>
    %reduce_sum3A_188 = vector.multi_reduction <add>, %mul3A_186, %reduce_sum3A_187 [0] : vector<8x512xf32> to vector<512xf32>
    %broadcast_in_dim3A_189 = vector.shape_cast %reduce_sum3A_188 : vector<512xf32> to vector<1x512xf32>
    %mul3A_190 = arith.constant 2.000000e+00 : f32
    %mul3A_191 = vector.broadcast %mul3A_190 : f32 to vector<1024x512xf32>
    %mul3A_192 = arith.mulf %mul3A_191, %dot_general3A_181 : vector<1024x512xf32>
    %sub3A_193 = vector.broadcast %broadcast_in_dim3A_185 : vector<1024x1xf32> to vector<1024x512xf32>
    %sub3A_194 = arith.subf %mul3A_192, %sub3A_193 : vector<1024x512xf32>
    %sub3A_195 = vector.broadcast %broadcast_in_dim3A_189 : vector<1x512xf32> to vector<1024x512xf32>
    %sub3A_196 = arith.subf %sub3A_194, %sub3A_195 : vector<1024x512xf32>
    %sub3A_197 = vector.broadcast %get3A_4 : vector<1x512xf32> to vector<1024x512xf32>
    %sub3A_198 = arith.subf %sub3A_196, %sub3A_197 : vector<1024x512xf32>
    %mul3A_199 = vector.broadcast %get3A_7 : vector<1x512xf32> to vector<1024x512xf32>
    %mul3A_200 = arith.mulf %sub3A_198, %mul3A_199 : vector<1024x512xf32>
    %reduce_max3A_201 = arith.constant dense<0xFF800000> : vector<1024xf32>
    %reduce_max3A_202 = vector.multi_reduction <maximumf>, %mul3A_200, %reduce_max3A_201 [1] : vector<1024x512xf32> to vector<1024xf32>
    %broadcast_in_dim3A_203 = vector.shape_cast %reduce_max3A_202 : vector<1024xf32> to vector<1024x1xf32>
    %eq3A_204 = vector.broadcast %broadcast_in_dim3A_203 : vector<1024x1xf32> to vector<1024x512xf32>
    %eq3A_205 = arith.cmpf oeq, %mul3A_200, %eq3A_204 : vector<1024x512xf32>
    %convert_element_type3A_206 = arith.extui %eq3A_205 : vector<1024x512xi1> to vector<1024x512xi32>
    %convert_element_type3A_207 = arith.sitofp %convert_element_type3A_206 : vector<1024x512xi32> to vector<1024x512xf32>
    %get3A_208 = arith.constant 4 : index
    %get3A_209 = arith.constant 0 : index
    %get3A_210 = arith.constant 0 : index
    %get3A_211 = vector.load %arg2[%get3A_208, %get3A_209, %get3A_210] : memref<8x512x8xf32, #tpu.memory_space<vmem>>, vector<1x512x8xf32>
    %get3A_212 = vector.shape_cast %get3A_211 : vector<1x512x8xf32> to vector<512x8xf32>
    %dot_general3A_213 = arith.constant dense<0.000000e+00> : vector<1024x8xf32>
    %dot_general3A_214 = tpu.matmul %convert_element_type3A_207, %get3A_212, %dot_general3A_213 {dimension_numbers = #tpu.dot_dimension_numbers<[1], [0], [0], [1], [0, 0, 1, 1], [], []>, transpose_lhs_hint = false} : vector<1024x512xf32>, vector<512x8xf32>, vector<1024x8xf32> -> vector<1024x8xf32>
    %swap3A_215 = arith.constant 0 : index
    %swap3A_216 = arith.constant 32 : index
    %swap3A_217 = vector.load %arg5[%swap3A_215, %swap3A_216] : memref<1024x64xf32, #tpu.memory_space<vmem>>, vector<1024x8xf32>
    tpu.vector_store %arg5[%swap3A_215, %swap3A_216], %dot_general3A_214 {strides = array<i32>} : memref<1024x64xf32, #tpu.memory_space<vmem>>, vector<1024x8xf32>,
    %slice3A_218 = vector.extract_strided_slice %get3A_1 {offsets = [0, 40], sizes = [1024, 8], strides = [1, 1]} : vector<1024x64xf32> to vector<1024x8xf32>
    %get3A_219 = arith.constant 5 : index
    %get3A_220 = arith.constant 0 : index
    %get3A_221 = arith.constant 0 : index
    %get3A_222 = vector.load %arg1[%get3A_219, %get3A_220, %get3A_221] : memref<8x8x512xf32, #tpu.memory_space<vmem>>, vector<1x8x512xf32>
    %get3A_223 = vector.shape_cast %get3A_222 : vector<1x8x512xf32> to vector<8x512xf32>
    %dot_general3A_224 = arith.constant dense<0.000000e+00> : vector<1024x512xf32>
    %dot_general3A_225 = tpu.matmul %slice3A_218, %get3A_223, %dot_general3A_224 {dimension_numbers = #tpu.dot_dimension_numbers<[1], [0], [0], [1], [0, 0, 1, 1], [], []>, transpose_lhs_hint = false} : vector<1024x8xf32>, vector<8x512xf32>, vector<1024x512xf32> -> vector<1024x512xf32>
    %mul3A_226 = arith.mulf %slice3A_218, %slice3A_218 : vector<1024x8xf32>
    %reduce_sum3A_227 = arith.constant dense<0.000000e+00> : vector<1024xf32>
    %reduce_sum3A_228 = vector.multi_reduction <add>, %mul3A_226, %reduce_sum3A_227 [1] : vector<1024x8xf32> to vector<1024xf32>
    %broadcast_in_dim3A_229 = vector.shape_cast %reduce_sum3A_228 : vector<1024xf32> to vector<1024x1xf32>
    %mul3A_230 = arith.mulf %get3A_223, %get3A_223 : vector<8x512xf32>
    %reduce_sum3A_231 = arith.constant dense<0.000000e+00> : vector<512xf32>
    %reduce_sum3A_232 = vector.multi_reduction <add>, %mul3A_230, %reduce_sum3A_231 [0] : vector<8x512xf32> to vector<512xf32>
    %broadcast_in_dim3A_233 = vector.shape_cast %reduce_sum3A_232 : vector<512xf32> to vector<1x512xf32>
    %mul3A_234 = arith.constant 2.000000e+00 : f32
    %mul3A_235 = vector.broadcast %mul3A_234 : f32 to vector<1024x512xf32>
    %mul3A_236 = arith.mulf %mul3A_235, %dot_general3A_225 : vector<1024x512xf32>
    %sub3A_237 = vector.broadcast %broadcast_in_dim3A_229 : vector<1024x1xf32> to vector<1024x512xf32>
    %sub3A_238 = arith.subf %mul3A_236, %sub3A_237 : vector<1024x512xf32>
    %sub3A_239 = vector.broadcast %broadcast_in_dim3A_233 : vector<1x512xf32> to vector<1024x512xf32>
    %sub3A_240 = arith.subf %sub3A_238, %sub3A_239 : vector<1024x512xf32>
    %sub3A_241 = vector.broadcast %get3A_4 : vector<1x512xf32> to vector<1024x512xf32>
    %sub3A_242 = arith.subf %sub3A_240, %sub3A_241 : vector<1024x512xf32>
    %mul3A_243 = vector.broadcast %get3A_7 : vector<1x512xf32> to vector<1024x512xf32>
    %mul3A_244 = arith.mulf %sub3A_242, %mul3A_243 : vector<1024x512xf32>
    %reduce_max3A_245 = arith.constant dense<0xFF800000> : vector<1024xf32>
    %reduce_max3A_246 = vector.multi_reduction <maximumf>, %mul3A_244, %reduce_max3A_245 [1] : vector<1024x512xf32> to vector<1024xf32>
    %broadcast_in_dim3A_247 = vector.shape_cast %reduce_max3A_246 : vector<1024xf32> to vector<1024x1xf32>
    %eq3A_248 = vector.broadcast %broadcast_in_dim3A_247 : vector<1024x1xf32> to vector<1024x512xf32>
    %eq3A_249 = arith.cmpf oeq, %mul3A_244, %eq3A_248 : vector<1024x512xf32>
    %convert_element_type3A_250 = arith.extui %eq3A_249 : vector<1024x512xi1> to vector<1024x512xi32>
    %convert_element_type3A_251 = arith.sitofp %convert_element_type3A_250 : vector<1024x512xi32> to vector<1024x512xf32>
    %get3A_252 = arith.constant 5 : index
    %get3A_253 = arith.constant 0 : index
    %get3A_254 = arith.constant 0 : index
    %get3A_255 = vector.load %arg2[%get3A_252, %get3A_253, %get3A_254] : memref<8x512x8xf32, #tpu.memory_space<vmem>>, vector<1x512x8xf32>
    %get3A_256 = vector.shape_cast %get3A_255 : vector<1x512x8xf32> to vector<512x8xf32>
    %dot_general3A_257 = arith.constant dense<0.000000e+00> : vector<1024x8xf32>
    %dot_general3A_258 = tpu.matmul %convert_element_type3A_251, %get3A_256, %dot_general3A_257 {dimension_numbers = #tpu.dot_dimension_numbers<[1], [0], [0], [1], [0, 0, 1, 1], [], []>, transpose_lhs_hint = false} : vector<1024x512xf32>, vector<512x8xf32>, vector<1024x8xf32> -> vector<1024x8xf32>
    %swap3A_259 = arith.constant 0 : index
    %swap3A_260 = arith.constant 40 : index
    %swap3A_261 = vector.load %arg5[%swap3A_259, %swap3A_260] : memref<1024x64xf32, #tpu.memory_space<vmem>>, vector<1024x8xf32>
    tpu.vector_store %arg5[%swap3A_259, %swap3A_260], %dot_general3A_258 {strides = array<i32>} : memref<1024x64xf32, #tpu.memory_space<vmem>>, vector<1024x8xf32>,
    %slice3A_262 = vector.extract_strided_slice %get3A_1 {offsets = [0, 48], sizes = [1024, 8], strides = [1, 1]} : vector<1024x64xf32> to vector<1024x8xf32>
    %get3A_263 = arith.constant 6 : index
    %get3A_264 = arith.constant 0 : index
    %get3A_265 = arith.constant 0 : index
    %get3A_266 = vector.load %arg1[%get3A_263, %get3A_264, %get3A_265] : memref<8x8x512xf32, #tpu.memory_space<vmem>>, vector<1x8x512xf32>
    %get3A_267 = vector.shape_cast %get3A_266 : vector<1x8x512xf32> to vector<8x512xf32>
    %dot_general3A_268 = arith.constant dense<0.000000e+00> : vector<1024x512xf32>
    %dot_general3A_269 = tpu.matmul %slice3A_262, %get3A_267, %dot_general3A_268 {dimension_numbers = #tpu.dot_dimension_numbers<[1], [0], [0], [1], [0, 0, 1, 1], [], []>, transpose_lhs_hint = false} : vector<1024x8xf32>, vector<8x512xf32>, vector<1024x512xf32> -> vector<1024x512xf32>
    %mul3A_270 = arith.mulf %slice3A_262, %slice3A_262 : vector<1024x8xf32>
    %reduce_sum3A_271 = arith.constant dense<0.000000e+00> : vector<1024xf32>
    %reduce_sum3A_272 = vector.multi_reduction <add>, %mul3A_270, %reduce_sum3A_271 [1] : vector<1024x8xf32> to vector<1024xf32>
    %broadcast_in_dim3A_273 = vector.shape_cast %reduce_sum3A_272 : vector<1024xf32> to vector<1024x1xf32>
    %mul3A_274 = arith.mulf %get3A_267, %get3A_267 : vector<8x512xf32>
    %reduce_sum3A_275 = arith.constant dense<0.000000e+00> : vector<512xf32>
    %reduce_sum3A_276 = vector.multi_reduction <add>, %mul3A_274, %reduce_sum3A_275 [0] : vector<8x512xf32> to vector<512xf32>
    %broadcast_in_dim3A_277 = vector.shape_cast %reduce_sum3A_276 : vector<512xf32> to vector<1x512xf32>
    %mul3A_278 = arith.constant 2.000000e+00 : f32
    %mul3A_279 = vector.broadcast %mul3A_278 : f32 to vector<1024x512xf32>
    %mul3A_280 = arith.mulf %mul3A_279, %dot_general3A_269 : vector<1024x512xf32>
    %sub3A_281 = vector.broadcast %broadcast_in_dim3A_273 : vector<1024x1xf32> to vector<1024x512xf32>
    %sub3A_282 = arith.subf %mul3A_280, %sub3A_281 : vector<1024x512xf32>
    %sub3A_283 = vector.broadcast %broadcast_in_dim3A_277 : vector<1x512xf32> to vector<1024x512xf32>
    %sub3A_284 = arith.subf %sub3A_282, %sub3A_283 : vector<1024x512xf32>
    %sub3A_285 = vector.broadcast %get3A_4 : vector<1x512xf32> to vector<1024x512xf32>
    %sub3A_286 = arith.subf %sub3A_284, %sub3A_285 : vector<1024x512xf32>
    %mul3A_287 = vector.broadcast %get3A_7 : vector<1x512xf32> to vector<1024x512xf32>
    %mul3A_288 = arith.mulf %sub3A_286, %mul3A_287 : vector<1024x512xf32>
    %reduce_max3A_289 = arith.constant dense<0xFF800000> : vector<1024xf32>
    %reduce_max3A_290 = vector.multi_reduction <maximumf>, %mul3A_288, %reduce_max3A_289 [1] : vector<1024x512xf32> to vector<1024xf32>
    %broadcast_in_dim3A_291 = vector.shape_cast %reduce_max3A_290 : vector<1024xf32> to vector<1024x1xf32>
    %eq3A_292 = vector.broadcast %broadcast_in_dim3A_291 : vector<1024x1xf32> to vector<1024x512xf32>
    %eq3A_293 = arith.cmpf oeq, %mul3A_288, %eq3A_292 : vector<1024x512xf32>
    %convert_element_type3A_294 = arith.extui %eq3A_293 : vector<1024x512xi1> to vector<1024x512xi32>
    %convert_element_type3A_295 = arith.sitofp %convert_element_type3A_294 : vector<1024x512xi32> to vector<1024x512xf32>
    %get3A_296 = arith.constant 6 : index
    %get3A_297 = arith.constant 0 : index
    %get3A_298 = arith.constant 0 : index
    %get3A_299 = vector.load %arg2[%get3A_296, %get3A_297, %get3A_298] : memref<8x512x8xf32, #tpu.memory_space<vmem>>, vector<1x512x8xf32>
    %get3A_300 = vector.shape_cast %get3A_299 : vector<1x512x8xf32> to vector<512x8xf32>
    %dot_general3A_301 = arith.constant dense<0.000000e+00> : vector<1024x8xf32>
    %dot_general3A_302 = tpu.matmul %convert_element_type3A_295, %get3A_300, %dot_general3A_301 {dimension_numbers = #tpu.dot_dimension_numbers<[1], [0], [0], [1], [0, 0, 1, 1], [], []>, transpose_lhs_hint = false} : vector<1024x512xf32>, vector<512x8xf32>, vector<1024x8xf32> -> vector<1024x8xf32>
    %swap3A_303 = arith.constant 0 : index
    %swap3A_304 = arith.constant 48 : index
    %swap3A_305 = vector.load %arg5[%swap3A_303, %swap3A_304] : memref<1024x64xf32, #tpu.memory_space<vmem>>, vector<1024x8xf32>
    tpu.vector_store %arg5[%swap3A_303, %swap3A_304], %dot_general3A_302 {strides = array<i32>} : memref<1024x64xf32, #tpu.memory_space<vmem>>, vector<1024x8xf32>,
    %slice3A_306 = vector.extract_strided_slice %get3A_1 {offsets = [0, 56], sizes = [1024, 8], strides = [1, 1]} : vector<1024x64xf32> to vector<1024x8xf32>
    %get3A_307 = arith.constant 7 : index
    %get3A_308 = arith.constant 0 : index
    %get3A_309 = arith.constant 0 : index
    %get3A_310 = vector.load %arg1[%get3A_307, %get3A_308, %get3A_309] : memref<8x8x512xf32, #tpu.memory_space<vmem>>, vector<1x8x512xf32>
    %get3A_311 = vector.shape_cast %get3A_310 : vector<1x8x512xf32> to vector<8x512xf32>
    %dot_general3A_312 = arith.constant dense<0.000000e+00> : vector<1024x512xf32>
    %dot_general3A_313 = tpu.matmul %slice3A_306, %get3A_311, %dot_general3A_312 {dimension_numbers = #tpu.dot_dimension_numbers<[1], [0], [0], [1], [0, 0, 1, 1], [], []>, transpose_lhs_hint = false} : vector<1024x8xf32>, vector<8x512xf32>, vector<1024x512xf32> -> vector<1024x512xf32>
    %mul3A_314 = arith.mulf %slice3A_306, %slice3A_306 : vector<1024x8xf32>
    %reduce_sum3A_315 = arith.constant dense<0.000000e+00> : vector<1024xf32>
    %reduce_sum3A_316 = vector.multi_reduction <add>, %mul3A_314, %reduce_sum3A_315 [1] : vector<1024x8xf32> to vector<1024xf32>
    %broadcast_in_dim3A_317 = vector.shape_cast %reduce_sum3A_316 : vector<1024xf32> to vector<1024x1xf32>
    %mul3A_318 = arith.mulf %get3A_311, %get3A_311 : vector<8x512xf32>
    %reduce_sum3A_319 = arith.constant dense<0.000000e+00> : vector<512xf32>
    %reduce_sum3A_320 = vector.multi_reduction <add>, %mul3A_318, %reduce_sum3A_319 [0] : vector<8x512xf32> to vector<512xf32>
    %broadcast_in_dim3A_321 = vector.shape_cast %reduce_sum3A_320 : vector<512xf32> to vector<1x512xf32>
    %mul3A_322 = arith.constant 2.000000e+00 : f32
    %mul3A_323 = vector.broadcast %mul3A_322 : f32 to vector<1024x512xf32>
    %mul3A_324 = arith.mulf %mul3A_323, %dot_general3A_313 : vector<1024x512xf32>
    %sub3A_325 = vector.broadcast %broadcast_in_dim3A_317 : vector<1024x1xf32> to vector<1024x512xf32>
    %sub3A_326 = arith.subf %mul3A_324, %sub3A_325 : vector<1024x512xf32>
    %sub3A_327 = vector.broadcast %broadcast_in_dim3A_321 : vector<1x512xf32> to vector<1024x512xf32>
    %sub3A_328 = arith.subf %sub3A_326, %sub3A_327 : vector<1024x512xf32>
    %sub3A_329 = vector.broadcast %get3A_4 : vector<1x512xf32> to vector<1024x512xf32>
    %sub3A_330 = arith.subf %sub3A_328, %sub3A_329 : vector<1024x512xf32>
    %mul3A_331 = vector.broadcast %get3A_7 : vector<1x512xf32> to vector<1024x512xf32>
    %mul3A_332 = arith.mulf %sub3A_330, %mul3A_331 : vector<1024x512xf32>
    %reduce_max3A_333 = arith.constant dense<0xFF800000> : vector<1024xf32>
    %reduce_max3A_334 = vector.multi_reduction <maximumf>, %mul3A_332, %reduce_max3A_333 [1] : vector<1024x512xf32> to vector<1024xf32>
    %broadcast_in_dim3A_335 = vector.shape_cast %reduce_max3A_334 : vector<1024xf32> to vector<1024x1xf32>
    %eq3A_336 = vector.broadcast %broadcast_in_dim3A_335 : vector<1024x1xf32> to vector<1024x512xf32>
    %eq3A_337 = arith.cmpf oeq, %mul3A_332, %eq3A_336 : vector<1024x512xf32>
    %convert_element_type3A_338 = arith.extui %eq3A_337 : vector<1024x512xi1> to vector<1024x512xi32>
    %convert_element_type3A_339 = arith.sitofp %convert_element_type3A_338 : vector<1024x512xi32> to vector<1024x512xf32>
    %get3A_340 = arith.constant 7 : index
    %get3A_341 = arith.constant 0 : index
    %get3A_342 = arith.constant 0 : index
    %get3A_343 = vector.load %arg2[%get3A_340, %get3A_341, %get3A_342] : memref<8x512x8xf32, #tpu.memory_space<vmem>>, vector<1x512x8xf32>
    %get3A_344 = vector.shape_cast %get3A_343 : vector<1x512x8xf32> to vector<512x8xf32>
    %dot_general3A_345 = arith.constant dense<0.000000e+00> : vector<1024x8xf32>
    %dot_general3A_346 = tpu.matmul %convert_element_type3A_339, %get3A_344, %dot_general3A_345 {dimension_numbers = #tpu.dot_dimension_numbers<[1], [0], [0], [1], [0, 0, 1, 1], [], []>, transpose_lhs_hint = false} : vector<1024x512xf32>, vector<512x8xf32>, vector<1024x8xf32> -> vector<1024x8xf32>
    %swap3A_347 = arith.constant 0 : index
    %swap3A_348 = arith.constant 56 : index
    %swap3A_349 = vector.load %arg5[%swap3A_347, %swap3A_348] : memref<1024x64xf32, #tpu.memory_space<vmem>>, vector<1024x8xf32>
    tpu.vector_store %arg5[%swap3A_347, %swap3A_348], %dot_general3A_346 {strides = array<i32>} : memref<1024x64xf32, #tpu.memory_space<vmem>>, vector<1024x8xf32>,
    return
  }
  func.func @transform_0(%arg0: i32) -> (i32, i32, i32) {
    %c0_i32 = arith.constant 0 : i32
    %c0_i32_0 = arith.constant 0 : i32
    %c0_i32_1 = arith.constant 0 : i32
    %c0_i32_2 = arith.constant 0 : i32
    return %c0_i32, %c0_i32_0, %c0_i32_1 : i32, i32, i32
  }
  func.func @transform_1(%arg0: i32) -> (i32, i32, i32) {
    %c0_i32 = arith.constant 0 : i32
    %c0_i32_0 = arith.constant 0 : i32
    %c0_i32_1 = arith.constant 0 : i32
    %c0_i32_2 = arith.constant 0 : i32
    return %c0_i32, %c0_i32_0, %c0_i32_1 : i32, i32, i32
  }
  func.func @transform_2(%arg0: i32) -> (i32, i32) {
    %c0_i32 = arith.constant 0 : i32
    %c0_i32_0 = arith.constant 0 : i32
    %c0_i32_1 = arith.constant 0 : i32
    return %c0_i32, %c0_i32_0 : i32, i32
  }
  func.func @transform_3(%arg0: i32) -> (i32, i32) {
    %c0_i32 = arith.constant 0 : i32
    %c0_i32_0 = arith.constant 0 : i32
    return %arg0, %c0_i32 : i32, i32
  }
  func.func @transform_4(%arg0: i32) -> (i32, i32) {
    %c0_i32 = arith.constant 0 : i32
    %c0_i32_0 = arith.constant 0 : i32
    return %arg0, %c0_i32 : i32, i32
  }
}

</mosaic_0001>

<sc_bundles>
// kernel: kernel.5.cloned.1.call-start
scs
__scs_entry_jumppad:
0x0: {  	(pc) =	sbr.rel $0x88, $3  }
0x1: {  	(tag) =	ssettag $0x0;
	lr =	simm.s32 $0x1  }
0x2: {  	[smem:$0x3F9E] =	sst lr;
	_ =	strace $0xD0000000  }
0x3: {  	_ = 	snop  }
0x4: {  	_ = 	snop  }
0x5: {  	_ = 	snop  }
0x6: {  	_ = 	snop  }
0x7: {  	_ = 	snop  }
__scs_overlays_trampoline_lowered:
0x8: {  	[smem:$0x3FAD] =	sst s0  }
0x9: {  	[smem:$0x3FAE] =	sst s1  }
0xa: {  	[smem:$0x3FAF] =	sst s2  }
0xb: {  	[smem:$0x3FB0] =	sst s3  }
0xc: {  	[smem:$0x3FB1] =	sst s4  }
0xd: {  	[smem:$0x3FB2] =	sst s5  }
0xe: {  	[smem:$0x3FB3] =	sst s6  }
0xf: {  	[smem:$0x3FB4] =	sst s7  }
0x10: {  	[smem:$0x3FB5] =	sst s8  }
0x11: {  	[smem:$0x3FB6] =	sst s9;
	s0 =	simm.s32 @!p0 $0x0  }
0x12: {  	s1 =	sld [smem:$0x3F9C];
	s0 =	simm.s32 @p0 $0x1  }
0x13: {  	[smem:$0x3FB7] =	sst s0;
	s0 =	simm.s32 @!p1 $0x0  }
0x14: {  	s2 =	sld [smem:$0x3F9B];
	s0 =	simm.s32 @p1 $0x1  }
0x15: {  	[smem:$0x3FB8] =	sst s0;
	s0 =	simm.s32 @!p2 $0x0  }
0x16: {  	s3 =	sld [smem:$0x3FDB];
	s0 =	simm.s32 @p2 $0x1  }
0x17: {  	s4 =	simm.s32 $0x1BF5;
	[smem:$0x3FBA] =	sst s0  }
0x18: {  	s0 =	sld [smem:$0x3F9D];
	_ =	swait.ge [sflag:s4], $0x0  }
0x19: {  	s7 =	sld [smem:$0x3F9E]  }
0x1a: {  	s8 =	sadd.s32 $0xFFFFE003, lr  }
0x1b: {  	s9 =	sadd.s32 $0xFFFFFEF7, lr;
	s5 =	simm.s32 $0xFFFFFFFF;
	p2 =	slt.u32 s8, $0xFFFFF086  }
0x1c: {  	p1 =	slt.u32 s9, $0xF7A;
	s5 =	simm.s32 @!p2 $0x0  }
0x1d: {  	s5 =	simm.s32 @p1 $0x1;
	p0 =	seq.s32 s7, s2  }
0x1e: {  	s7 =	smul.u32 @!p0 $0xF7A, s2;
	p2 =	seq.s32 @!p0 s5, $0x0  }
0x1f: {  	s9 =	smul.u32 $0xF7A, s1;
	s8 =	simm.s32 @!p0 $0x1BF5;
	p2 =	por !p2, p0  }
0x20: {  	[sflag:s8] =	ssyncset.s32 @!p0 $0xFFFFF086;
	s6 =	sadd.s32 @!p0 s3, s7;
	s7 =	simm.s32 @!p0 $0x108  }
0x21: {  	s3 =	sadd.s32 s3, s9;
	s6 =	sadd.s32 @!p0 $0x88, s6;
	s7 =	simm.s32 @p2 $0x1082  }
0x22: {  	[simem:s7], [sflag:s8] =	dma.local @!p0 [hbm:s6], $0xF7A  }
0x23: {  	s9 =	sor.u32 $0xD0000000, s2;
	s6 =	simm.s32 $0x108;
	_ =	swait.ge @!p0 [sflag:s8], $0x0  }
0x24: {  	s3 =	sadd.s32 $0x88, s3;
	s6 =	simm.s32 @!p1 $0x1082;
	[sflag:s4] =	ssyncset.s32 $0xFFFFF086  }
0x25: {  	[simem:s6], [sflag:s4] =	dma.local [hbm:s3], $0xF7A  }
0x26: {  	[smem:$0x3F9E] =	sst s1;
	(tag) =	ssettag s2;
	_ =	strace s9  }
0x27: {  	s1 =	sld [smem:$0x3FAE]  }
0x28: {  	s2 =	sld [smem:$0x3FAF]  }
0x29: {  	s4 =	sld [smem:$0x3FB1]  }
0x2a: {  	p0 =	seq.s32 s5, $0x0;
	s5 =	sld [smem:$0x3FB2]  }
0x2b: {  	s6 =	sld [smem:$0x3FB3]  }
0x2c: {  	s7 =	sld [smem:$0x3FB4]  }
0x2d: {  	s3 =	simm.s32 $0x108;
	s8 =	sld [smem:$0x3FB5]  }
0x2e: {  	s3 =	simm.s32 @!p0 $0x1082;
	s9 =	sld [smem:$0x3FB6]  }
0x2f: {  	lr =	sadd.s32 s0, s3;
	s0 =	sld [smem:$0x3FAD]  }
0x30: {  	s3 =	sld [smem:$0x3FB0]  }
0x31: {  	[smem:$0x3FB9] =	sst s10  }
0x32: {  	s10 =	sld [smem:$0x3FB7];
	_ =	sdelay $0x3  }
0x33: {  	p0 =	seq.s32 s10, $0x1;
	s10 =	sld [smem:$0x3FB9];
	_ =	sdelay $0x3  }
0x34: {  	[smem:$0x3FB9] =	sst s10  }
0x35: {  	s10 =	sld [smem:$0x3FB8];
	_ =	sdelay $0x3  }
0x36: {  	p1 =	seq.s32 s10, $0x1;
	s10 =	sld [smem:$0x3FB9];
	_ =	sdelay $0x3  }
0x37: {  	[smem:$0x3FB9] =	sst s10  }
0x38: {  	s10 =	sld [smem:$0x3FBA]  }
0x39: {  	_ = 	snop;
	(pc) =	sbr.ind lr, $3  }
0x3a: {  	_ = 	snop  }
0x3b: {  	_ = 	snop  }
0x3c: {  	p2 =	seq.s32 s10, $0x1;
	s10 =	sld [smem:$0x3FB9]  }
0x3d: {  	_ =	shalt  }
0x3e: {  	_ =	shalt  }
0x3f: {  	_ =	shalt  }
0x40: {  	_ =	shalt  }
0x41: {  	_ =	shalt  }
0x42: {  	_ =	shalt  }
0x43: {  	_ =	shalt  }
0x44: {  	_ =	shalt  }
0x45: {  	_ =	shalt  }
0x46: {  	_ =	shalt  }
0x47: {  	_ =	shalt  }
0x48: {  	_ =	shalt  }
0x49: {  	_ =	shalt  }
0x4a: {  	_ =	shalt  }
0x4b: {  	_ =	shalt  }
0x4c: {  	_ =	shalt  }
0x4d: {  	_ =	shalt  }
0x4e: {  	_ =	shalt  }
0x4f: {  	_ =	shalt  }
0x50: {  	_ =	shalt  }
0x51: {  	_ =	shalt  }
0x52: {  	_ =	shalt  }
0x53: {  	_ =	shalt  }
0x54: {  	_ =	shalt  }
0x55: {  	_ =	shalt  }
0x56: {  	_ =	shalt  }
0x57: {  	_ =	shalt  }
0x58: {  	_ =	shalt  }
0x59: {  	_ =	shalt  }
0x5a: {  	_ =	shalt  }
0x5b: {  	_ =	shalt  }
0x5c: {  	_ =	shalt  }
0x5d: {  	_ =	shalt  }
0x5e: {  	_ =	shalt  }
0x5f: {  	_ =	shalt  }
0x60: {  	_ =	shalt  }
0x61: {  	_ =	shalt  }
0x62: {  	_ =	shalt  }
0x63: {  	_ =	shalt  }
0x64: {  	_ =	shalt  }
0x65: {  	_ =	shalt  }
0x66: {  	_ =	shalt  }
0x67: {  	_ =	shalt  }
0x68: {  	_ =	shalt  }
0x69: {  	_ =	shalt  }
0x6a: {  	_ =	shalt  }
0x6b: {  	_ =	shalt  }
0x6c: {  	_ =	shalt  }
0x6d: {  	_ =	shalt  }
0x6e: {  	_ =	shalt  }
0x6f: {  	_ =	shalt  }
0x70: {  	_ =	shalt  }
0x71: {  	_ =	shalt  }
0x72: {  	_ =	shalt  }
0x73: {  	_ =	shalt  }
0x74: {  	_ =	shalt  }
0x75: {  	_ =	shalt  }
0x76: {  	_ =	shalt  }
0x77: {  	_ =	shalt  }
0x78: {  	_ =	shalt  }
0x79: {  	_ =	shalt  }
0x7a: {  	_ =	shalt  }
0x7b: {  	_ =	shalt  }
0x7c: {  	_ =	shalt  }
0x7d: {  	_ =	shalt  }
0x7e: {  	_ =	shalt  }
0x7f: {  	_ =	shalt  }
0x80: {  	_ =	shalt  }
0x81: {  	_ =	shalt  }
0x82: {  	_ =	shalt  }
0x83: {  	_ =	shalt  }
0x84: {  	_ =	shalt  }
0x85: {  	_ =	shalt  }
0x86: {  	_ =	shalt  }
0x87: {  	_ =	shalt  }
.Lfunc_end0:
.L_simem_size_0:
called_computation_lowered:
.L_overlay_start_0:
0x88: {  	s2 =	sld [smem:$0x3FD9]  }
0x89: {  	s3 =	sld [smem:$0x3FFE];
	_ =	sdelay $0x1  }
0x8a: {  	s1 =	srdreg.scid  }
0x8b: {  	s0 =	sand.u32 $0x1, s1  }
0x8c: {  	s17 =	sshll.u32 s0, $0xA;
	s2 =	sadd.s32 s3, s2  }
0x8d: {  	s2 =	sadd.s32 s2, s17  }
0x8e: {  	[smem:$0x3FC5] =	sst s2  }
0x8f: {  	_ = 	snop  }
0x90: {  	s2 =	sld [smem:$0x3FD0];
	(tm) =	ssettm $0x1  }
0x91: {  	s18 =	sld [smem:$0x3FFB];
	_ =	sdelay $0x3  }
0x92: {  	_ =	strace s18  }
0x93: {  	s3 =	sld [smem:$0x3FFC];
	_ =	sdelay $0x3  }
0x94: {  	_ =	strace s3  }
0x95: {  	s3 =	sld [smem:$0x3FFD];
	_ =	sdelay $0x3  }
0x96: {  	_ =	strace s3  }
0x97: {  	_ =	strace $0x8FFFFFFF  }
0x98: {  	s19 =	sld [smem:$0x3FDB];
	_ =	sdelay $0x1  }
0x99: {  	s4 =	simm.s32 $_scs_section_size  }
0x9a: {  	s5 =	simm.s32 $_size__tile_overlayer_lowered;
	s6 =	simm.s32 $_tile_overlayer_lowered  }
0x9b: {  	s22 =	simm.s32 $0x1BFF;
	s21 =	sshll.u32 s6, $0x1;
	s3 =	sadd.s32 s4, s19  }
0x9c: {  	s7 =	simm.s32 $0x0;
	s20 =	sshll.u32 s5, $0x1;
	s5 =	sadd.s32 s21, s3  }
0x9d: {  	[timem:s7], [sflag:s22] =	dma.local [hbm:s5], s20  }
0x9e: {  	_ =	swait.ge [sflag:s22], s20  }
0x9f: {  	s4 =	ssub.s32 $0x0, s20;
	[sflag:s22] =	ssyncset.done $0x0  }
0xa0: {  	[sflag:s22] =	ssyncadd.s32 s4;
	_ =	sdelay $0x1  }
0xa1: {  	s23 =	simm.s32 $0x1B8B  }
0xa2: {  	_ =	swait.ge [sflag:s23], $0x1  }
0xa3: {  	[sflag:s23] =	ssyncset.done $0x0  }
0xa4: {  	s25 =	simm.s32 $0x1B8E;
	s24 =	sld [smem:$0x3FFE];
	[sflag:s23] =	ssyncadd.s32 $0xFFFFFFFF  }
0xa5: {  	s26 =	simm.s32 $execute0_lowered;
	[smem:$0x3FD2] =	sst s25  }
0xa6: {  	s5 =	sshll.u32 s26, $0x1;
	_ =	strace $0x80000046;
	[dreg:$0x1] =	wrdreg $0xFFFFFFFF  }
0xa7: {  	s28 =	simm.s32 $_size_execute0_lowered;
	s3 =	sadd.s32 s3, s5;
	[dreg:$0x0] =	wrdreg $0x0  }
0xa8: {  	s5 =	sshll.u32 s28, $0x1;
	[dreg:$0x2] =	wrdreg s3  }
0xa9: {  	[dreg:$0x3] =	wrdreg s5  }
0xaa: {  	[dreg:$0x4] =	wrdreg $0xC0  }
0xab: {  	_ =	task [dreg:s7], $0x5FFFF  }
0xac: {  	[dreg:$0x1] =	wrdreg $0xFFFFFFFF  }
0xad: {  	[dreg:$0x0] =	wrdreg $0x60  }
0xae: {  	[dreg:$0x2] =	wrdreg s24  }
0xaf: {  	[dreg:$0x3] =	wrdreg s2  }
0xb0: {  	[dreg:$0x4] =	wrdreg $0x9  }
0xb1: {  	_ =	task.clear_ibuf [dreg:s7], $0x5FFFF;
	_ =	strace $0x90000046  }
0xb2: {  	s29 =	simm.s32 $0x9;
	_ =	strace $0x80000048  }
0xb3: {  	_ =	swait.ge [sflag:s29], $0x1  }
0xb4: {  	[sflag:s29] =	ssyncadd.s32 $0xFFFFFFFF  }
0xb5: {  	_ =	strace $0x90000048  }
0xb6: {  	_ =	sfence  }
0xb7: {  	s30 =	sld [smem:$0x0];
	_ =	sdelay $0x2  }
0xb8: {  	s31 =	sshll.u32 s1, $0xD;
	s1 =	sshrl.u32 s1, $0x2  }
0xb9: {  	s3 =	sand.u32 $0x4000, s31;
	s1 =	sadd.s32 s1, s30  }
0xba: {  	s0 =	sor.u32 s3, s0;
	s1 =	sshll.u32 s1, $0x11  }
0xbb: {  	s0 =	sor.u32 s1, s0  }
0xbc: {  	s0 =	sadd.s32 $0x8F2B, s0  }
0xbd: {  	[sflag:s0] =	ssyncadd.remote.s32 $0x1  }
0xbe: {  	_ =	sfence.sel $0xFFFF  }
0xbf: {  	[dreg:$0x0] =	wrdreg $0xFFFFFFFF;
	(pc) =	sbr.abs _section_cstart, $3  }
0xc0: {  	[dreg:$0x1] =	wrdreg $0xFFFFFFFF  }
0xc1: {  	_ =	task.clear_ibuf [dreg:s7], $0x2FFFF;
	_ =	strace $0x9FFFFFFF  }
0xc2: {  	(tm) =	ssettm $0x7FFFFFFF  }
0xc3: {  	_ =	shalt  }
tec
execute0_lowered:
.L_overlay_start_1:
0x0: {  	(tag) =	ssettag $0x1  }
0x1: {  	s0 =	rddreg [dreg:$0x0]  }
0x2: {  	s1 =	srdreg.scid;
	s17 =	stileid.u32  }
0x3: {  	s3 =	rddreg [dreg:$0x1];
	s2 =	simm.s32 $0x0;
	s23 =	simm.s32 $0x100  }
0x4: {  	s24 =	simm.s32 $0x180;
	s8 =	simm.s32 $0x2A00;
	s25 =	simm.s32 $0x200  }
0x5: {  	s9 =	simm.s32 $0x4A00;
	s26 =	simm.s32 $0x280;
	s10 =	simm.s32 $0x6A00  }
0x6: {  	s11 =	simm.s32 $0x8A00;
	s12 =	simm.s32 $0xAA00;
	s29 =	simm.s32 $0x300  }
0x7: {  	s13 =	simm.s32 $0xCA00;
	s30 =	simm.s32 $0x380;
	s14 =	simm.s32 $0xEA00  }
0x8: {  	s31 =	simm.s32 $0x400;
	s15 =	simm.s32 $0x10A00;
	s18 =	simm.s32 $0x480  }
0x9: {  	s16 =	simm.s32 $0x12A00;
	s19 =	simm.s32 $0x580;
	s20 =	simm.s32 $0x600  }
0xa: {  	s21 =	simm.s32 $0x680;
	p0 =	por $0x0, $0x0;
	[smem:$0x7FF] =	sst s2  }
0xb: {  	s28 =	simm.s32 $0x980;
	_ =	strace $0x80000047;
	[dreg:$0x6] =	wrdreg s23  }
0xc: {  	s1 =	sand.u32 $0x1, s1;
	s4 =	sshll.u32 s17, $0x1;
	[dreg:$0x7] =	wrdreg s24  }
0xd: {  	s4 =	sor.u32 s1, s4;
	s1 =	ssub.s32 $0x2, s1;
	[dreg:$0x8] =	wrdreg s25  }
0xe: {  	[dreg:$0x9] =	wrdreg s26;
	s23 =	simm.s32 $0x780;
	s24 =	simm.s32 $0x800  }
0xf: {  	s25 =	simm.s32 $0x880;
	s5 =	smul.u32 $0x140, s4;
	s7 =	sshrl.u32 s1, $0x1  }
0x10: {  	s26 =	simm.s32 $0x900;
	s6 =	smul.u32 $0x28000, s4;
	s1 =	ssub.s32 s1, s7  }
0x11: {  	s4 =	smul.u32 $0x5000, s4;
	s7 =	simm.s32 $0x80;
	s22 =	smax.u32 s1, $0x1  }
0x12: {  	s5 =	sadd.s32 s5, s0;
	s6 =	sshrl.u32 s6, $0x3;
	p1 =	sne.s32 s22, $0x1  }
.Ltmp0:
0x13: {  	s4 =	sadd.s32 s3, s4;
	s5 =	sadd.s32 $0x800, s5;
	(pc) =	sbr.rel @!p1 .LBB2_1-.Ltmp0, $4  }
0x14: {  	s3 =	sadd.s32 s3, s6;
	[dreg:$0x4] =	wrdreg s4;
	s6 =	sadd.s32 $0xF42C00, s0  }
0x15: {  	s4 =	simm.s32 $0xA00;
	[dreg:$0x3] =	wrdreg s5;
	s3 =	sadd.s32 $0x2800, s3  }
0x16: {  	s1 =	sadd.s32 $0xFFFFFFFF, s22;
	s22 =	simm.s32 $0x700;
	[dreg:$0x5] =	wrdreg s3  }
0x17: {  	s5 =	simm.s32 $0x1;
	s3 =	simm.s32 $0x2;
	s0 =	rddreg [dreg:$0x3]  }
0x18: {  	[tilespmem:s2], [sflag:$0x2] =	stream.linear.gather [hbm4b:s0+s2], $0xA00, $0x38;
	[tilespmem:$0x14A00] =	vst v63  }
0x19: {  	_ =	swait.ge [sflag:s3], $0xA00  }
0x1a: {  	[sflag:s3] =	ssyncset.done $0x0  }
0x1b: {  	[sflag:s3] =	ssyncadd.s32 $0xFFFFF600  }
0x1c: {  	[tilespmem:s4], [sflag:$0x1] =	stream.indirect.gather [hbm4b:s6+s7], $0x40, s2, s7, $0xb8;
	[tilespmem:$0x14A00] =	vst v63  }
0x1d: {  	_ = 	snop  }
0x1e: {  	[tilespmem:s8], [sflag:$0x1] =	stream.indirect.gather [hbm4b:s6+s7], $0x40, s7, s7, $0xb8;
	[tilespmem:$0x14A00] =	vst v63  }
0x1f: {  	s0 =	rddreg [dreg:$0x6]  }
0x20: {  	[tilespmem:s9], [sflag:$0x1] =	stream.indirect.gather [hbm4b:s6+s7], $0x40, s0, s7, $0xb8;
	[tilespmem:$0x14A00] =	vst v63  }
0x21: {  	s17 =	smov.u32 s1;
	s1 =	rddreg [dreg:$0x7]  }
0x22: {  	[tilespmem:s10], [sflag:$0x1] =	stream.indirect.gather [hbm4b:s6+s7], $0x40, s1, s7, $0xb8;
	[tilespmem:$0x14A00] =	vst v63  }
0x23: {  	s0 =	rddreg [dreg:$0x8]  }
0x24: {  	[tilespmem:s11], [sflag:$0x1] =	stream.indirect.gather [hbm4b:s6+s7], $0x40, s0, s7, $0xb8;
	[tilespmem:$0x14A00] =	vst v63  }
0x25: {  	s1 =	rddreg [dreg:$0x9]  }
0x26: {  	[tilespmem:s12], [sflag:$0x1] =	stream.indirect.gather [hbm4b:s6+s7], $0x40, s1, s7, $0xb8;
	[tilespmem:$0x14A00] =	vst v63  }
0x27: {  	_ = 	snop  }
0x28: {  	[tilespmem:s13], [sflag:$0x1] =	stream.indirect.gather [hbm4b:s6+s7], $0x40, s29, s7, $0xb8;
	[tilespmem:$0x14A00] =	vst v63  }
0x29: {  	_ = 	snop  }
0x2a: {  	[tilespmem:s14], [sflag:$0x1] =	stream.indirect.gather [hbm4b:s6+s7], $0x40, s30, s7, $0xb8;
	[tilespmem:$0x14A00] =	vst v63  }
0x2b: {  	_ = 	snop  }
0x2c: {  	[tilespmem:s15], [sflag:$0x1] =	stream.indirect.gather [hbm4b:s6+s7], $0x40, s31, s7, $0xb8;
	[tilespmem:$0x14A00] =	vst v63  }
0x2d: {  	_ = 	snop  }
0x2e: {  	[tilespmem:s16], [sflag:$0x1] =	stream.indirect.gather [hbm4b:s6+s7], $0x40, s18, s7, $0xb8;
	[tilespmem:$0x14A00] =	vst v63  }
0x2f: {  	_ =	swait.ge [sflag:s5], $0x2000  }
0x30: {  	[sflag:s5] =	ssyncset.done $0x0  }
0x31: {  	[sflag:s5] =	ssyncadd.s32 $0xFFFFE000  }
0x32: {  	_ =	swait.ge [sflag:s5], $0x2000  }
0x33: {  	[sflag:s5] =	ssyncset.done $0x0  }
0x34: {  	[sflag:s5] =	ssyncadd.s32 $0xFFFFE000  }
0x35: {  	_ =	swait.ge [sflag:s5], $0x2000  }
0x36: {  	[sflag:s5] =	ssyncset.done $0x0  }
0x37: {  	[sflag:s5] =	ssyncadd.s32 $0xFFFFE000  }
0x38: {  	_ =	swait.ge [sflag:s5], $0x2000  }
0x39: {  	[sflag:s5] =	ssyncset.done $0x0  }
0x3a: {  	[sflag:s5] =	ssyncadd.s32 $0xFFFFE000  }
0x3b: {  	_ =	swait.ge [sflag:s5], $0x2000  }
0x3c: {  	[sflag:s5] =	ssyncset.done $0x0  }
0x3d: {  	[sflag:s5] =	ssyncadd.s32 $0xFFFFE000  }
0x3e: {  	_ =	swait.ge [sflag:s5], $0x2000  }
0x3f: {  	[sflag:s5] =	ssyncset.done $0x0  }
0x40: {  	[sflag:s5] =	ssyncadd.s32 $0xFFFFE000  }
0x41: {  	_ =	swait.ge [sflag:s5], $0x2000  }
0x42: {  	[sflag:s5] =	ssyncset.done $0x0  }
0x43: {  	[sflag:s5] =	ssyncadd.s32 $0xFFFFE000  }
0x44: {  	_ =	swait.ge [sflag:s5], $0x2000  }
0x45: {  	[sflag:s5] =	ssyncset.done $0x0  }
0x46: {  	[sflag:s5] =	ssyncadd.s32 $0xFFFFE000  }
0x47: {  	_ =	swait.ge [sflag:s5], $0x2000  }
0x48: {  	[sflag:s5] =	ssyncset.done $0x0  }
0x49: {  	[sflag:s5] =	ssyncadd.s32 $0xFFFFE000  }
0x4a: {  	_ =	swait.ge [sflag:s5], $0x2000  }
0x4b: {  	[sflag:s5] =	ssyncset.done $0x0  }
0x4c: {  	s1 =	rddreg [dreg:$0x4];
	[sflag:s5] =	ssyncadd.s32 $0xFFFFE000  }
0x4d: {  	[hbm4b:s1+s2] =	stream.linear.scatter [tilespmem:s4], [sflag:$0x2], $0x14000, $0x38;
	[tilespmem:$0x14A00] =	vst v63  }
0x4e: {  	_ =	swait.ge [sflag:s3], $0x14000  }
0x4f: {  	[sflag:s3] =	ssyncset.done $0x0  }
0x50: {  	s1 =	simm.s32 $0x500;
	[sflag:s3] =	ssyncadd.s32 $0xFFFEC000  }
0x51: {  	[tilespmem:s4], [sflag:$0x1] =	stream.indirect.gather [hbm4b:s6+s7], $0x40, s1, s7, $0xb8;
	[tilespmem:$0x14A00] =	vst v63  }
0x52: {  	_ = 	snop  }
0x53: {  	[tilespmem:s8], [sflag:$0x1] =	stream.indirect.gather [hbm4b:s6+s7], $0x40, s19, s7, $0xb8;
	[tilespmem:$0x14A00] =	vst v63  }
0x54: {  	_ = 	snop  }
0x55: {  	[tilespmem:s9], [sflag:$0x1] =	stream.indirect.gather [hbm4b:s6+s7], $0x40, s20, s7, $0xb8;
	[tilespmem:$0x14A00] =	vst v63  }
0x56: {  	_ = 	snop  }
0x57: {  	[tilespmem:s10], [sflag:$0x1] =	stream.indirect.gather [hbm4b:s6+s7], $0x40, s21, s7, $0xb8;
	[tilespmem:$0x14A00] =	vst v63  }
0x58: {  	_ = 	snop  }
0x59: {  	[tilespmem:s11], [sflag:$0x1] =	stream.indirect.gather [hbm4b:s6+s7], $0x40, s22, s7, $0xb8;
	[tilespmem:$0x14A00] =	vst v63  }
0x5a: {  	_ = 	snop  }
0x5b: {  	[tilespmem:s12], [sflag:$0x1] =	stream.indirect.gather [hbm4b:s6+s7], $0x40, s23, s7, $0xb8;
	[tilespmem:$0x14A00] =	vst v63  }
0x5c: {  	_ = 	snop  }
0x5d: {  	[tilespmem:s13], [sflag:$0x1] =	stream.indirect.gather [hbm4b:s6+s7], $0x40, s24, s7, $0xb8;
	[tilespmem:$0x14A00] =	vst v63  }
0x5e: {  	_ = 	snop  }
0x5f: {  	[tilespmem:s14], [sflag:$0x1] =	stream.indirect.gather [hbm4b:s6+s7], $0x40, s25, s7, $0xb8;
	[tilespmem:$0x14A00] =	vst v63  }
0x60: {  	_ = 	snop  }
0x61: {  	[tilespmem:s15], [sflag:$0x1] =	stream.indirect.gather [hbm4b:s6+s7], $0x40, s26, s7, $0xb8;
	[tilespmem:$0x14A00] =	vst v63  }
0x62: {  	_ = 	snop  }
0x63: {  	[tilespmem:s16], [sflag:$0x1] =	stream.indirect.gather [hbm4b:s6+s7], $0x40, s28, s7, $0xb8;
	[tilespmem:$0x14A00] =	vst v63  }
0x64: {  	_ =	swait.ge [sflag:s5], $0x2000  }
0x65: {  	[sflag:s5] =	ssyncset.done $0x0  }
0x66: {  	[sflag:s5] =	ssyncadd.s32 $0xFFFFE000  }
0x67: {  	_ =	swait.ge [sflag:s5], $0x2000  }
0x68: {  	[sflag:s5] =	ssyncset.done $0x0  }
0x69: {  	[sflag:s5] =	ssyncadd.s32 $0xFFFFE000  }
0x6a: {  	_ =	swait.ge [sflag:s5], $0x2000  }
0x6b: {  	[sflag:s5] =	ssyncset.done $0x0  }
0x6c: {  	[sflag:s5] =	ssyncadd.s32 $0xFFFFE000  }
0x6d: {  	_ =	swait.ge [sflag:s5], $0x2000  }
0x6e: {  	[sflag:s5] =	ssyncset.done $0x0  }
0x6f: {  	[sflag:s5] =	ssyncadd.s32 $0xFFFFE000  }
0x70: {  	_ =	swait.ge [sflag:s5], $0x2000  }
0x71: {  	[sflag:s5] =	ssyncset.done $0x0  }
0x72: {  	[sflag:s5] =	ssyncadd.s32 $0xFFFFE000  }
0x73: {  	_ =	swait.ge [sflag:s5], $0x2000  }
0x74: {  	[sflag:s5] =	ssyncset.done $0x0  }
0x75: {  	[sflag:s5] =	ssyncadd.s32 $0xFFFFE000  }
0x76: {  	_ =	swait.ge [sflag:s5], $0x2000  }
0x77: {  	[sflag:s5] =	ssyncset.done $0x0  }
0x78: {  	[sflag:s5] =	ssyncadd.s32 $0xFFFFE000  }
0x79: {  	_ =	swait.ge [sflag:s5], $0x2000  }
0x7a: {  	[sflag:s5] =	ssyncset.done $0x0  }
0x7b: {  	[sflag:s5] =	ssyncadd.s32 $0xFFFFE000  }
0x7c: {  	_ =	swait.ge [sflag:s5], $0x2000  }
0x7d: {  	[sflag:s5] =	ssyncset.done $0x0  }
0x7e: {  	[sflag:s5] =	ssyncadd.s32 $0xFFFFE000  }
0x7f: {  	p1 =	sne.s32 s17, $0x1;
	_ =	swait.ge [sflag:s5], $0x2000  }
.Ltmp1:
0x80: {  	[sflag:s5] =	ssyncset.done $0x0;
	(pc) =	sbr.rel @!p1 .LBB2_3-.Ltmp1, $4  }
0x81: {  	s1 =	rddreg [dreg:$0x5];
	[sflag:s5] =	ssyncadd.s32 $0xFFFFE000  }
0x82: {  	[hbm4b:s1+s2] =	stream.linear.scatter [tilespmem:s4], [sflag:$0x2], $0x14000, $0x38;
	[tilespmem:$0x14A00] =	vst v63  }
0x83: {  	p0 =	por $0x1, $0x1;
	_ =	swait.ge [sflag:s3], $0x14000  }
0x84: {  	s1 =	sadd.s32 $0xFFFFFFFF, s17;
	s0 =	rddreg [dreg:$0x3];
	[sflag:s3] =	ssyncset.done $0x0  }
.LBB2_4:
0x85: {  	[sflag:s3] =	ssyncadd.s32 $0xFFFEC000  }
0x86: {  	[tilespmem:s2], [sflag:$0x2] =	stream.linear.gather [hbm4b:s0+s2], $0xA00, $0x38;
	[tilespmem:$0x14A00] =	vst v63  }
0x87: {  	_ =	swait.ge [sflag:s3], $0xA00  }
0x88: {  	[sflag:s3] =	ssyncset.done $0x0  }
0x89: {  	[sflag:s3] =	ssyncadd.s32 $0xFFFFF600  }
0x8a: {  	[tilespmem:s4], [sflag:$0x1] =	stream.indirect.gather [hbm4b:s6+s7], $0x40, s2, s7, $0xb8;
	[tilespmem:$0x14A00] =	vst v63  }
0x8b: {  	_ = 	snop  }
0x8c: {  	[tilespmem:s8], [sflag:$0x1] =	stream.indirect.gather [hbm4b:s6+s7], $0x40, s7, s7, $0xb8;
	[tilespmem:$0x14A00] =	vst v63  }
0x8d: {  	s0 =	rddreg [dreg:$0x6]  }
0x8e: {  	[tilespmem:s9], [sflag:$0x1] =	stream.indirect.gather [hbm4b:s6+s7], $0x40, s0, s7, $0xb8;
	[tilespmem:$0x14A00] =	vst v63  }
0x8f: {  	s17 =	rddreg [dreg:$0x7]  }
0x90: {  	[tilespmem:s10], [sflag:$0x1] =	stream.indirect.gather [hbm4b:s6+s7], $0x40, s17, s7, $0xb8;
	[tilespmem:$0x14A00] =	vst v63  }
0x91: {  	s0 =	rddreg [dreg:$0x8]  }
0x92: {  	[tilespmem:s11], [sflag:$0x1] =	stream.indirect.gather [hbm4b:s6+s7], $0x40, s0, s7, $0xb8;
	[tilespmem:$0x14A00] =	vst v63  }
0x93: {  	s17 =	rddreg [dreg:$0x9]  }
0x94: {  	[tilespmem:s12], [sflag:$0x1] =	stream.indirect.gather [hbm4b:s6+s7], $0x40, s17, s7, $0xb8;
	[tilespmem:$0x14A00] =	vst v63  }
0x95: {  	_ = 	snop  }
0x96: {  	[tilespmem:s13], [sflag:$0x1] =	stream.indirect.gather [hbm4b:s6+s7], $0x40, s29, s7, $0xb8;
	[tilespmem:$0x14A00] =	vst v63  }
0x97: {  	_ = 	snop  }
0x98: {  	[tilespmem:s14], [sflag:$0x1] =	stream.indirect.gather [hbm4b:s6+s7], $0x40, s30, s7, $0xb8;
	[tilespmem:$0x14A00] =	vst v63  }
0x99: {  	_ = 	snop  }
0x9a: {  	[tilespmem:s15], [sflag:$0x1] =	stream.indirect.gather [hbm4b:s6+s7], $0x40, s31, s7, $0xb8;
	[tilespmem:$0x14A00] =	vst v63  }
0x9b: {  	_ = 	snop  }
0x9c: {  	[tilespmem:s16], [sflag:$0x1] =	stream.indirect.gather [hbm4b:s6+s7], $0x40, s18, s7, $0xb8;
	[tilespmem:$0x14A00] =	vst v63  }
0x9d: {  	_ =	swait.ge [sflag:s5], $0x2000  }
0x9e: {  	[sflag:s5] =	ssyncset.done $0x0  }
0x9f: {  	[sflag:s5] =	ssyncadd.s32 $0xFFFFE000  }
0xa0: {  	_ =	swait.ge [sflag:s5], $0x2000  }
0xa1: {  	[sflag:s5] =	ssyncset.done $0x0  }
0xa2: {  	[sflag:s5] =	ssyncadd.s32 $0xFFFFE000  }
0xa3: {  	_ =	swait.ge [sflag:s5], $0x2000  }
0xa4: {  	[sflag:s5] =	ssyncset.done $0x0  }
0xa5: {  	[sflag:s5] =	ssyncadd.s32 $0xFFFFE000  }
0xa6: {  	_ =	swait.ge [sflag:s5], $0x2000  }
0xa7: {  	[sflag:s5] =	ssyncset.done $0x0  }
0xa8: {  	[sflag:s5] =	ssyncadd.s32 $0xFFFFE000  }
0xa9: {  	_ =	swait.ge [sflag:s5], $0x2000  }
0xaa: {  	[sflag:s5] =	ssyncset.done $0x0  }
0xab: {  	[sflag:s5] =	ssyncadd.s32 $0xFFFFE000  }
0xac: {  	_ =	swait.ge [sflag:s5], $0x2000  }
0xad: {  	[sflag:s5] =	ssyncset.done $0x0  }
0xae: {  	[sflag:s5] =	ssyncadd.s32 $0xFFFFE000  }
0xaf: {  	_ =	swait.ge [sflag:s5], $0x2000  }
0xb0: {  	[sflag:s5] =	ssyncset.done $0x0  }
0xb1: {  	[sflag:s5] =	ssyncadd.s32 $0xFFFFE000  }
0xb2: {  	_ =	swait.ge [sflag:s5], $0x2000  }
0xb3: {  	[sflag:s5] =	ssyncset.done $0x0  }
0xb4: {  	[sflag:s5] =	ssyncadd.s32 $0xFFFFE000  }
0xb5: {  	_ =	swait.ge [sflag:s5], $0x2000  }
0xb6: {  	[sflag:s5] =	ssyncset.done $0x0  }
0xb7: {  	[sflag:s5] =	ssyncadd.s32 $0xFFFFE000  }
0xb8: {  	_ =	swait.ge [sflag:s5], $0x2000  }
0xb9: {  	[sflag:s5] =	ssyncset.done $0x0  }
0xba: {  	s17 =	rddreg [dreg:$0x4];
	[sflag:s5] =	ssyncadd.s32 $0xFFFFE000  }
0xbb: {  	[hbm4b:s17+s2] =	stream.linear.scatter [tilespmem:s4], [sflag:$0x2], $0x14000, $0x38;
	[tilespmem:$0x14A00] =	vst v63  }
0xbc: {  	_ =	swait.ge [sflag:s3], $0x14000  }
0xbd: {  	[sflag:s3] =	ssyncset.done $0x0  }
0xbe: {  	s17 =	simm.s32 $0x500;
	[sflag:s3] =	ssyncadd.s32 $0xFFFEC000  }
0xbf: {  	[tilespmem:s4], [sflag:$0x1] =	stream.indirect.gather [hbm4b:s6+s7], $0x40, s17, s7, $0xb8;
	[tilespmem:$0x14A00] =	vst v63  }
0xc0: {  	_ = 	snop  }
0xc1: {  	[tilespmem:s8], [sflag:$0x1] =	stream.indirect.gather [hbm4b:s6+s7], $0x40, s19, s7, $0xb8;
	[tilespmem:$0x14A00] =	vst v63  }
0xc2: {  	_ = 	snop  }
0xc3: {  	[tilespmem:s9], [sflag:$0x1] =	stream.indirect.gather [hbm4b:s6+s7], $0x40, s20, s7, $0xb8;
	[tilespmem:$0x14A00] =	vst v63  }
0xc4: {  	_ = 	snop  }
0xc5: {  	[tilespmem:s10], [sflag:$0x1] =	stream.indirect.gather [hbm4b:s6+s7], $0x40, s21, s7, $0xb8;
	[tilespmem:$0x14A00] =	vst v63  }
0xc6: {  	_ = 	snop  }
0xc7: {  	[tilespmem:s11], [sflag:$0x1] =	stream.indirect.gather [hbm4b:s6+s7], $0x40, s22, s7, $0xb8;
	[tilespmem:$0x14A00] =	vst v63  }
0xc8: {  	_ = 	snop  }
0xc9: {  	[tilespmem:s12], [sflag:$0x1] =	stream.indirect.gather [hbm4b:s6+s7], $0x40, s23, s7, $0xb8;
	[tilespmem:$0x14A00] =	vst v63  }
0xca: {  	_ = 	snop  }
0xcb: {  	[tilespmem:s13], [sflag:$0x1] =	stream.indirect.gather [hbm4b:s6+s7], $0x40, s24, s7, $0xb8;
	[tilespmem:$0x14A00] =	vst v63  }
0xcc: {  	_ = 	snop  }
0xcd: {  	[tilespmem:s14], [sflag:$0x1] =	stream.indirect.gather [hbm4b:s6+s7], $0x40, s25, s7, $0xb8;
	[tilespmem:$0x14A00] =	vst v63  }
0xce: {  	_ = 	snop  }
0xcf: {  	[tilespmem:s15], [sflag:$0x1] =	stream.indirect.gather [hbm4b:s6+s7], $0x40, s26, s7, $0xb8;
	[tilespmem:$0x14A00] =	vst v63  }
0xd0: {  	_ = 	snop  }
0xd1: {  	[tilespmem:s16], [sflag:$0x1] =	stream.indirect.gather [hbm4b:s6+s7], $0x40, s28, s7, $0xb8;
	[tilespmem:$0x14A00] =	vst v63  }
0xd2: {  	_ =	swait.ge [sflag:s5], $0x2000  }
0xd3: {  	[sflag:s5] =	ssyncset.done $0x0  }
0xd4: {  	[sflag:s5] =	ssyncadd.s32 $0xFFFFE000  }
0xd5: {  	_ =	swait.ge [sflag:s5], $0x2000  }
0xd6: {  	[sflag:s5] =	ssyncset.done $0x0  }
0xd7: {  	[sflag:s5] =	ssyncadd.s32 $0xFFFFE000  }
0xd8: {  	_ =	swait.ge [sflag:s5], $0x2000  }
0xd9: {  	[sflag:s5] =	ssyncset.done $0x0  }
0xda: {  	[sflag:s5] =	ssyncadd.s32 $0xFFFFE000  }
0xdb: {  	_ =	swait.ge [sflag:s5], $0x2000  }
0xdc: {  	[sflag:s5] =	ssyncset.done $0x0  }
0xdd: {  	[sflag:s5] =	ssyncadd.s32 $0xFFFFE000  }
0xde: {  	_ =	swait.ge [sflag:s5], $0x2000  }
0xdf: {  	[sflag:s5] =	ssyncset.done $0x0  }
0xe0: {  	[sflag:s5] =	ssyncadd.s32 $0xFFFFE000  }
0xe1: {  	_ =	swait.ge [sflag:s5], $0x2000  }
0xe2: {  	[sflag:s5] =	ssyncset.done $0x0  }
0xe3: {  	[sflag:s5] =	ssyncadd.s32 $0xFFFFE000  }
0xe4: {  	_ =	swait.ge [sflag:s5], $0x2000  }
0xe5: {  	[sflag:s5] =	ssyncset.done $0x0  }
0xe6: {  	[sflag:s5] =	ssyncadd.s32 $0xFFFFE000  }
0xe7: {  	_ =	swait.ge [sflag:s5], $0x2000  }
0xe8: {  	[sflag:s5] =	ssyncset.done $0x0  }
0xe9: {  	[sflag:s5] =	ssyncadd.s32 $0xFFFFE000  }
0xea: {  	_ =	swait.ge [sflag:s5], $0x2000  }
0xeb: {  	[sflag:s5] =	ssyncset.done $0x0  }
0xec: {  	[sflag:s5] =	ssyncadd.s32 $0xFFFFE000  }
0xed: {  	p1 =	sne.s32 s1, $0x1;
	_ =	swait.ge [sflag:s5], $0x2000  }
.Ltmp2:
0xee: {  	[sflag:s5] =	ssyncset.done $0x0;
	(pc) =	sbr.rel @p1 .LBB2_4-.Ltmp2, $4  }
0xef: {  	s17 =	rddreg [dreg:$0x5];
	[sflag:s5] =	ssyncadd.s32 $0xFFFFE000  }
0xf0: {  	[hbm4b:s17+s2] =	stream.linear.scatter [tilespmem:s4], [sflag:$0x2], $0x14000, $0x38;
	[tilespmem:$0x14A00] =	vst v63  }
0xf1: {  	_ =	swait.ge [sflag:s3], $0x14000  }
0xf2: {  	s1 =	sadd.s32 $0xFFFFFFFF, s1;
	s0 =	rddreg [dreg:$0x3];
	[sflag:s3] =	ssyncset.done $0x0  }
0xf3: {  	s28 =	simm.s32 $0x480;
	s31 =	simm.s32 $0x400  }
0xf4: {  	s30 =	simm.s32 $0x380;
	s29 =	simm.s32 $0x300;
	s26 =	simm.s32 $0x900  }
0xf5: {  	s25 =	simm.s32 $0x880;
	s24 =	simm.s32 $0x800;
	s23 =	simm.s32 $0x780  }
0xf6: {  	s22 =	simm.s32 $0x700;
	s21 =	simm.s32 $0x680;
	s20 =	simm.s32 $0x600  }
0xf7: {  	s19 =	simm.s32 $0x580;
	s18 =	simm.s32 $0x500;
	s17 =	stileid.u32  }
.LBB2_6:
0xf8: {  	[sflag:s3] =	ssyncadd.s32 @p0 $0xFFFEC000  }
0xf9: {  	[tilespmem:s2], [sflag:$0x2] =	stream.linear.gather [hbm4b:s0+s2], $0xA00, $0x38;
	[tilespmem:$0x14A00] =	vst v63  }
0xfa: {  	_ =	swait.ge [sflag:s3], $0xA00  }
0xfb: {  	[sflag:s3] =	ssyncset.done $0x0  }
0xfc: {  	[sflag:s3] =	ssyncadd.s32 $0xFFFFF600  }
0xfd: {  	[tilespmem:s4], [sflag:$0x1] =	stream.indirect.gather [hbm4b:s6+s7], $0x40, s2, s7, $0xb8;
	[tilespmem:$0x14A00] =	vst v63  }
0xfe: {  	_ = 	snop  }
0xff: {  	[tilespmem:s8], [sflag:$0x1] =	stream.indirect.gather [hbm4b:s6+s7], $0x40, s7, s7, $0xb8;
	[tilespmem:$0x14A00] =	vst v63  }
0x100: {  	s0 =	rddreg [dreg:$0x6]  }
0x101: {  	[tilespmem:s9], [sflag:$0x1] =	stream.indirect.gather [hbm4b:s6+s7], $0x40, s0, s7, $0xb8;
	[tilespmem:$0x14A00] =	vst v63  }
0x102: {  	s1 =	rddreg [dreg:$0x7]  }
0x103: {  	[tilespmem:s10], [sflag:$0x1] =	stream.indirect.gather [hbm4b:s6+s7], $0x40, s1, s7, $0xb8;
	[tilespmem:$0x14A00] =	vst v63  }
0x104: {  	s0 =	rddreg [dreg:$0x8]  }
0x105: {  	[tilespmem:s11], [sflag:$0x1] =	stream.indirect.gather [hbm4b:s6+s7], $0x40, s0, s7, $0xb8;
	[tilespmem:$0x14A00] =	vst v63  }
0x106: {  	s1 =	rddreg [dreg:$0x9]  }
0x107: {  	[tilespmem:s12], [sflag:$0x1] =	stream.indirect.gather [hbm4b:s6+s7], $0x40, s1, s7, $0xb8;
	[tilespmem:$0x14A00] =	vst v63  }
0x108: {  	_ = 	snop  }
0x109: {  	[tilespmem:s13], [sflag:$0x1] =	stream.indirect.gather [hbm4b:s6+s7], $0x40, s29, s7, $0xb8;
	[tilespmem:$0x14A00] =	vst v63  }
0x10a: {  	_ = 	snop  }
0x10b: {  	[tilespmem:s14], [sflag:$0x1] =	stream.indirect.gather [hbm4b:s6+s7], $0x40, s30, s7, $0xb8;
	[tilespmem:$0x14A00] =	vst v63  }
0x10c: {  	_ = 	snop  }
0x10d: {  	[tilespmem:s15], [sflag:$0x1] =	stream.indirect.gather [hbm4b:s6+s7], $0x40, s31, s7, $0xb8;
	[tilespmem:$0x14A00] =	vst v63  }
0x10e: {  	_ = 	snop  }
0x10f: {  	[tilespmem:s16], [sflag:$0x1] =	stream.indirect.gather [hbm4b:s6+s7], $0x40, s28, s7, $0xb8;
	[tilespmem:$0x14A00] =	vst v63  }
0x110: {  	_ =	swait.ge [sflag:s5], $0x2000  }
0x111: {  	[sflag:s5] =	ssyncset.done $0x0  }
0x112: {  	[sflag:s5] =	ssyncadd.s32 $0xFFFFE000  }
0x113: {  	_ =	swait.ge [sflag:s5], $0x2000  }
0x114: {  	[sflag:s5] =	ssyncset.done $0x0  }
0x115: {  	[sflag:s5] =	ssyncadd.s32 $0xFFFFE000  }
0x116: {  	_ =	swait.ge [sflag:s5], $0x2000  }
0x117: {  	[sflag:s5] =	ssyncset.done $0x0  }
0x118: {  	[sflag:s5] =	ssyncadd.s32 $0xFFFFE000  }
0x119: {  	_ =	swait.ge [sflag:s5], $0x2000  }
0x11a: {  	[sflag:s5] =	ssyncset.done $0x0  }
0x11b: {  	[sflag:s5] =	ssyncadd.s32 $0xFFFFE000  }
0x11c: {  	_ =	swait.ge [sflag:s5], $0x2000  }
0x11d: {  	[sflag:s5] =	ssyncset.done $0x0  }
0x11e: {  	[sflag:s5] =	ssyncadd.s32 $0xFFFFE000  }
0x11f: {  	_ =	swait.ge [sflag:s5], $0x2000  }
0x120: {  	[sflag:s5] =	ssyncset.done $0x0  }
0x121: {  	[sflag:s5] =	ssyncadd.s32 $0xFFFFE000  }
0x122: {  	_ =	swait.ge [sflag:s5], $0x2000  }
0x123: {  	[sflag:s5] =	ssyncset.done $0x0  }
0x124: {  	[sflag:s5] =	ssyncadd.s32 $0xFFFFE000  }
0x125: {  	_ =	swait.ge [sflag:s5], $0x2000  }
0x126: {  	[sflag:s5] =	ssyncset.done $0x0  }
0x127: {  	[sflag:s5] =	ssyncadd.s32 $0xFFFFE000  }
0x128: {  	_ =	swait.ge [sflag:s5], $0x2000  }
0x129: {  	[sflag:s5] =	ssyncset.done $0x0  }
0x12a: {  	[sflag:s5] =	ssyncadd.s32 $0xFFFFE000  }
0x12b: {  	_ =	swait.ge [sflag:s5], $0x2000  }
0x12c: {  	[sflag:s5] =	ssyncset.done $0x0  }
0x12d: {  	s29 =	rddreg [dreg:$0x4];
	[sflag:s5] =	ssyncadd.s32 $0xFFFFE000  }
0x12e: {  	[hbm4b:s29+s2] =	stream.linear.scatter [tilespmem:s4], [sflag:$0x2], $0x14000, $0x38;
	[tilespmem:$0x14A00] =	vst v63  }
0x12f: {  	_ =	swait.ge [sflag:s3], $0x14000  }
0x130: {  	[sflag:s3] =	ssyncset.done $0x0  }
0x131: {  	[sflag:s3] =	ssyncadd.s32 $0xFFFEC000  }
0x132: {  	[tilespmem:s4], [sflag:$0x1] =	stream.indirect.gather [hbm4b:s6+s7], $0x40, s18, s7, $0xb8;
	[tilespmem:$0x14A00] =	vst v63  }
0x133: {  	_ = 	snop  }
0x134: {  	[tilespmem:s8], [sflag:$0x1] =	stream.indirect.gather [hbm4b:s6+s7], $0x40, s19, s7, $0xb8;
	[tilespmem:$0x14A00] =	vst v63  }
0x135: {  	_ = 	snop  }
0x136: {  	[tilespmem:s9], [sflag:$0x1] =	stream.indirect.gather [hbm4b:s6+s7], $0x40, s20, s7, $0xb8;
	[tilespmem:$0x14A00] =	vst v63  }
0x137: {  	_ = 	snop  }
0x138: {  	[tilespmem:s10], [sflag:$0x1] =	stream.indirect.gather [hbm4b:s6+s7], $0x40, s21, s7, $0xb8;
	[tilespmem:$0x14A00] =	vst v63  }
0x139: {  	_ = 	snop  }
0x13a: {  	[tilespmem:s11], [sflag:$0x1] =	stream.indirect.gather [hbm4b:s6+s7], $0x40, s22, s7, $0xb8;
	[tilespmem:$0x14A00] =	vst v63  }
0x13b: {  	_ = 	snop  }
0x13c: {  	[tilespmem:s12], [sflag:$0x1] =	stream.indirect.gather [hbm4b:s6+s7], $0x40, s23, s7, $0xb8;
	[tilespmem:$0x14A00] =	vst v63  }
0x13d: {  	_ = 	snop  }
0x13e: {  	[tilespmem:s13], [sflag:$0x1] =	stream.indirect.gather [hbm4b:s6+s7], $0x40, s24, s7, $0xb8;
	[tilespmem:$0x14A00] =	vst v63  }
0x13f: {  	_ = 	snop  }
0x140: {  	[tilespmem:s14], [sflag:$0x1] =	stream.indirect.gather [hbm4b:s6+s7], $0x40, s25, s7, $0xb8;
	[tilespmem:$0x14A00] =	vst v63  }
0x141: {  	_ = 	snop  }
0x142: {  	[tilespmem:s15], [sflag:$0x1] =	stream.indirect.gather [hbm4b:s6+s7], $0x40, s26, s7, $0xb8;
	[tilespmem:$0x14A00] =	vst v63  }
0x143: {  	s30 =	simm.s32 $0x980  }
0x144: {  	[tilespmem:s16], [sflag:$0x1] =	stream.indirect.gather [hbm4b:s6+s7], $0x40, s30, s7, $0xb8;
	[tilespmem:$0x14A00] =	vst v63  }
0x145: {  	_ =	swait.ge [sflag:s5], $0x2000  }
0x146: {  	[sflag:s5] =	ssyncset.done $0x0  }
0x147: {  	[sflag:s5] =	ssyncadd.s32 $0xFFFFE000  }
0x148: {  	_ =	swait.ge [sflag:s5], $0x2000  }
0x149: {  	[sflag:s5] =	ssyncset.done $0x0  }
0x14a: {  	[sflag:s5] =	ssyncadd.s32 $0xFFFFE000  }
0x14b: {  	_ =	swait.ge [sflag:s5], $0x2000  }
0x14c: {  	[sflag:s5] =	ssyncset.done $0x0  }
0x14d: {  	[sflag:s5] =	ssyncadd.s32 $0xFFFFE000  }
0x14e: {  	_ =	swait.ge [sflag:s5], $0x2000  }
0x14f: {  	[sflag:s5] =	ssyncset.done $0x0  }
0x150: {  	[sflag:s5] =	ssyncadd.s32 $0xFFFFE000  }
0x151: {  	_ =	swait.ge [sflag:s5], $0x2000  }
0x152: {  	[sflag:s5] =	ssyncset.done $0x0  }
0x153: {  	[sflag:s5] =	ssyncadd.s32 $0xFFFFE000  }
0x154: {  	_ =	swait.ge [sflag:s5], $0x2000  }
0x155: {  	[sflag:s5] =	ssyncset.done $0x0  }
0x156: {  	[sflag:s5] =	ssyncadd.s32 $0xFFFFE000  }
0x157: {  	_ =	swait.ge [sflag:s5], $0x2000  }
0x158: {  	[sflag:s5] =	ssyncset.done $0x0  }
0x159: {  	[sflag:s5] =	ssyncadd.s32 $0xFFFFE000  }
0x15a: {  	_ =	swait.ge [sflag:s5], $0x2000  }
0x15b: {  	[sflag:s5] =	ssyncset.done $0x0  }
0x15c: {  	[sflag:s5] =	ssyncadd.s32 $0xFFFFE000  }
0x15d: {  	_ =	swait.ge [sflag:s5], $0x2000  }
0x15e: {  	[sflag:s5] =	ssyncset.done $0x0  }
0x15f: {  	[sflag:s5] =	ssyncadd.s32 $0xFFFFE000  }
0x160: {  	_ =	swait.ge [sflag:s5], $0x2000  }
0x161: {  	[sflag:s5] =	ssyncset.done $0x0  }
0x162: {  	s31 =	rddreg [dreg:$0x5];
	[sflag:s5] =	ssyncadd.s32 $0xFFFFE000  }
0x163: {  	[hbm4b:s31+s2] =	stream.linear.scatter [tilespmem:s4], [sflag:$0x2], $0x14000, $0x38;
	[tilespmem:$0x14A00] =	vst v63  }
0x164: {  	_ =	swait.ge [sflag:s3], $0x14000  }
0x165: {  	[sflag:s3] =	ssyncset.done $0x0  }
0x166: {  	[sflag:s3] =	ssyncadd.s32 $0xFFFEC000  }
0x167: {  	_ =	sfence.sel $0x180000  }
0x168: {  	[bflag:$0x0] =	sbarrier.arrive $0xFFFF  }
0x169: {  	_ =	strace $0x90000047  }
0x16a: {  	[bflag:$0x2] =	sbarrier.arrive $0xFFFF  }
0x16b: {  	p0 =	sne.s32 s17, $0x0;
	s0 =	rddreg [dreg:$0x2]  }
0x16c: {  	s0 =	sadd.s32 @!p0 $0x100000, s0  }
0x16d: {  	[sflag:s0] =	ssyncadd.tile.s32 @!p0 $0x1;
	_ =	shalt  }
.LBB2_1:
.Ltmp3:
0x16e: {  	s28 =	simm.s32 $0x480;
	(pc) =	sbr.rel .LBB2_6-.Ltmp3, $4  }
0x16f: {  	s31 =	simm.s32 $0x400;
	s30 =	simm.s32 $0x380;
	s29 =	simm.s32 $0x300  }
0x170: {  	s26 =	simm.s32 $0x900;
	s25 =	simm.s32 $0x880;
	s24 =	simm.s32 $0x800  }
0x171: {  	s23 =	simm.s32 $0x780;
	s22 =	simm.s32 $0x700;
	s21 =	simm.s32 $0x680  }
0x172: {  	s20 =	simm.s32 $0x600;
	s19 =	simm.s32 $0x580;
	s18 =	simm.s32 $0x500  }
.LBB2_3:
.Ltmp4:
0x173: {  	s28 =	simm.s32 $0x480;
	s31 =	simm.s32 $0x400;
	(pc) =	sbr.rel .LBB2_6-.Ltmp4, $4  }
0x174: {  	s30 =	simm.s32 $0x380;
	s29 =	simm.s32 $0x300;
	s26 =	simm.s32 $0x900  }
0x175: {  	s25 =	simm.s32 $0x880;
	s24 =	simm.s32 $0x800;
	s23 =	simm.s32 $0x780  }
0x176: {  	s22 =	simm.s32 $0x700;
	s21 =	simm.s32 $0x680;
	s20 =	simm.s32 $0x600  }
0x177: {  	s19 =	simm.s32 $0x580;
	s18 =	simm.s32 $0x500;
	s17 =	stileid.u32  }
.Lfunc_end2:
_tile_overlayer_lowered:
.L_overlay_start_2:
0x178: {  	(tag) =	ssettag $0x2  }
0x179: {  	s0 =	rddreg [dreg:$0x0];
	s2 =	stileid.u32  }
0x17a: {  	s1 =	rddreg [dreg:$0x1];
	p0 =	sne.s32 s2, $0x0  }
0x17b: {  	s3 =	rddreg [dreg:$0x2];
	[bflag:$0x3] =	sbarrier.arrive $0xFFFF;
	s2 =	simm.s32 @!p0 $0x1C02  }
0x17c: {  	[timem:s3], [sflag:s2] =	dma.local @!p0 [hbm:s0], s1  }
0x17d: {  	s0 =	simm.s32 @!p0 $0x2  }
0x17e: {  	_ =	swait.ge @!p0 [sflag:s0], s1  }
0x17f: {  	s1 =	ssub.s32 @!p0 $0x0, s1;
	[sflag:s0] =	ssyncset.done @!p0 $0x0  }
0x180: {  	[sflag:s0] =	ssyncadd.s32 @!p0 s1  }
0x181: {  	[bflag:$0x3] =	sbarrier.arrive $0xFFFF  }
0x182: {  	_ =	shalt  }

</sc_bundles>
